<compile_context>
chip_gen: v7x
topology: tpu7x:2x2x1
jax: 0.10.2.dev20260603
libtpu: 0.0.44.dev20260713+nightly
codegen_flags: <defaults>
</compile_context>

<pallas_src>
import functools

import jax
import jax.numpy as jnp
from jax.experimental import pallas as pl
from jax.experimental.pallas import tpu as pltpu
from jax.experimental.pallas import tpu_sc as plsc

T, D, E, D_FF = 2048, 768, 64, 3072
TT = 32
TP = 4096
CH = 256
NTG = TP // TT
NW = 32
TOKW = T // NW


def _router_body(x_ref, wg_ref, logits_ref, pos_ref, w16_ref, base_ref, ntiles_ref):
    x = x_ref[...]
    logits = jnp.dot(x, wg_ref[...], preferred_element_type=jnp.float32)
    logits_ref[...] = logits

    lmax = jnp.max(logits, axis=1, keepdims=True)
    lane = jax.lax.broadcasted_iota(jnp.int32, (T, E), 1)
    eidx = jnp.min(jnp.where(logits >= lmax, lane, E), axis=1, keepdims=True)
    one_hot = (lane == eidx).astype(jnp.float32)
    denom = jnp.sum(jnp.exp(logits - lmax), axis=1, keepdims=True)
    w16_ref[...] = jnp.broadcast_to(1.0 / denom, (T, 128))

    li = jax.lax.broadcasted_iota(jnp.int32, (CH, CH), 0)
    lj = jax.lax.broadcasted_iota(jnp.int32, (CH, CH), 1)
    ltri = (lj < li).astype(jnp.float32)
    running = jnp.zeros((1, E), jnp.float32)
    rank_chunks = []
    for c in range(T // CH):
        chunk = one_hot[c * CH:(c + 1) * CH, :]
        within = jnp.dot(ltri, chunk, preferred_element_type=jnp.float32)
        rank_chunks.append(within + running)
        running = running + jnp.sum(chunk, axis=0, keepdims=True)
    ranks = jnp.concatenate(rank_chunks, axis=0)
    counts = running

    ntiles = jnp.floor((counts + (TT - 1)) / TT)
    padded = ntiles * TT
    ui = jax.lax.broadcasted_iota(jnp.int32, (E, E), 0)
    uj = jax.lax.broadcasted_iota(jnp.int32, (E, E), 1)
    upper = (ui < uj).astype(jnp.float32)
    base = jnp.sum(upper * jnp.reshape(padded, (E, 1)), axis=0, keepdims=True)

    pos = jnp.sum(one_hot * (ranks + base), axis=1, keepdims=True)
    pos_ref[...] = pos.astype(jnp.int32)
    base_ref[...] = base.astype(jnp.int32)
    ntiles_ref[...] = ntiles.astype(jnp.int32)


def _run_router(x, wg):
    return pl.pallas_call(
        _router_body,
        out_shape=[
            jax.ShapeDtypeStruct((T, E), jnp.float32),
            jax.ShapeDtypeStruct((T, 1), jnp.int32),
            jax.ShapeDtypeStruct((T, 128), jnp.float32),
            jax.ShapeDtypeStruct((1, E), jnp.int32),
            jax.ShapeDtypeStruct((1, E), jnp.int32),
        ],
    )(x, wg)


NF = 2
FF = D_FF // NF


NB = 3
SN = E * NF


NSPLIT = 4
DH = D // NSPLIT
FH = FF // NSPLIT


def _win_copies(win_hbm, win_buf, sin, step):
    e2 = step // NF
    f2 = step % NF
    slot = step % NB
    return [
        pltpu.make_async_copy(
            win_hbm.at[e2, pl.ds(h * DH, DH), pl.ds(f2 * FF, FF)],
            win_buf.at[slot, pl.ds(h * DH, DH)],
            sin.at[slot],
        )
        for h in range(NSPLIT)
    ]


def _wout_copies(wout_hbm, wout_buf, sout, step):
    e2 = step // NF
    f2 = step % NF
    slot = step % NB
    return [
        pltpu.make_async_copy(
            wout_hbm.at[e2, pl.ds(f2 * FF + h * FH, FH), :],
            wout_buf.at[slot, pl.ds(h * FH, FH)],
            sout.at[slot],
        )
        for h in range(NSPLIT)
    ]


def _start_step(win_hbm, wout_hbm, win_buf, wout_buf, sin, sout, step):
    for cp in _win_copies(win_hbm, win_buf, sin, step):
        cp.start()
    for cp in _wout_copies(wout_hbm, wout_buf, sout, step):
        cp.start()


def _moe_body(base_ref, ntiles_ref, xs_ref, win_hbm, wout_hbm, out_ref,
              win_buf, wout_buf, sin, sout):
    e = pl.program_id(0)
    f = pl.program_id(1)
    s = e * NF + f
    base = base_ref[e]
    nt = ntiles_ref[e]

    @pl.when(s == 0)
    def _():
        _start_step(win_hbm, wout_hbm, win_buf, wout_buf, sin, sout, 0)
        _start_step(win_hbm, wout_hbm, win_buf, wout_buf, sin, sout, 1)

    @pl.when(s + 2 < SN)
    def _():
        _start_step(win_hbm, wout_hbm, win_buf, wout_buf, sin, sout, s + 2)

    for cp in _win_copies(win_hbm, win_buf, sin, s):
        cp.wait()
    for cp in _wout_copies(wout_hbm, wout_buf, sout, s):
        cp.wait()

    slot = s % NB
    win = win_buf[slot]
    wout = wout_buf[slot]

    def tile_body(i, carry):
        start = pl.multiple_of(base + i * TT, TT)
        xt = xs_ref[pl.ds(start, TT), :]
        h = jax.nn.gelu(
            jnp.dot(xt, win, preferred_element_type=jnp.float32),
            approximate=True,
        )
        o = jnp.dot(h, wout, preferred_element_type=jnp.float32)

        @pl.when(f == 0)
        def _():
            out_ref[pl.ds(start, TT), :] = o

        @pl.when(f != 0)
        def _():
            out_ref[pl.ds(start, TT), :] += o

        return carry

    jax.lax.fori_loop(0, nt, tile_body, 0)


def _run_moe(base, ntiles, xs, w_in, w_out):
    grid_spec = pltpu.PrefetchScalarGridSpec(
        num_scalar_prefetch=2,
        grid=(E, NF),
        in_specs=[
            pl.BlockSpec((TP, D), lambda e, f, *_: (0, 0)),
            pl.BlockSpec(memory_space=pltpu.MemorySpace.HBM),
            pl.BlockSpec(memory_space=pltpu.MemorySpace.HBM),
        ],
        out_specs=pl.BlockSpec((TP, D), lambda e, f, *_: (0, 0)),
        scratch_shapes=[
            pltpu.VMEM((NB, D, FF), jnp.float32),
            pltpu.VMEM((NB, FF, D), jnp.float32),
            pltpu.SemaphoreType.DMA((NB,)),
            pltpu.SemaphoreType.DMA((NB,)),
        ],
    )
    return pl.pallas_call(
        _moe_body,
        grid_spec=grid_spec,
        out_shape=jax.ShapeDtypeStruct((TP, D), jnp.float32),
        compiler_params=pltpu.CompilerParams(
            dimension_semantics=("arbitrary", "arbitrary"),
            vmem_limit_bytes=110 * 1024 * 1024,
        ),
    )(base, ntiles, xs, w_in, w_out)


@functools.cache
def _sc_kernels():
    mesh = plsc.VectorSubcoreMesh(core_axis_name="c", subcore_axis_name="s")

    @functools.partial(
        pl.kernel,
        out_type=jax.ShapeDtypeStruct((TP, D), jnp.float32),
        mesh=mesh,
        scratch_types=[
            pltpu.VMEM((TOKW,), jnp.int32),
            pltpu.VMEM((TOKW, D), jnp.float32),
            pltpu.SemaphoreType.DMA,
        ],
    )
    def dispatch(x_hbm, pos_hbm, xs_hbm, idx_v, x_v, sem1):
        wid = jax.lax.axis_index("s") * 2 + jax.lax.axis_index("c")
        tok0 = wid * TOKW
        pltpu.sync_copy(pos_hbm.at[pl.ds(tok0, TOKW)], idx_v)
        pltpu.sync_copy(x_hbm.at[pl.ds(tok0, TOKW)], x_v)
        pltpu.async_copy(x_v, xs_hbm.at[idx_v], sem1).wait()

    @functools.partial(
        pl.kernel,
        out_type=jax.ShapeDtypeStruct((T, D), jnp.float32),
        mesh=mesh,
        scratch_types=[
            pltpu.VMEM((TOKW,), jnp.int32),
            pltpu.VMEM((TOKW, D), jnp.float32),
            pltpu.VMEM((TOKW, 128), jnp.float32),
            pltpu.SemaphoreType.DMA,
        ],
    )
    def collect(outs_hbm, pos_hbm, w128_hbm, out_hbm, idx_v, rows_v, w_v, sem):
        wid = jax.lax.axis_index("s") * 2 + jax.lax.axis_index("c")
        tok0 = wid * TOKW
        pltpu.sync_copy(pos_hbm.at[pl.ds(tok0, TOKW)], idx_v)
        pltpu.sync_copy(w128_hbm.at[pl.ds(tok0, TOKW)], w_v)
        pltpu.async_copy(outs_hbm.at[idx_v], rows_v, sem).wait()

        def row_body(r, carry):
            wr = w_v[r, 0:16]

            def col_body(c, carry2):
                sl = pl.ds(c * 16, 16)
                rows_v[r, sl] = rows_v[r, sl] * wr
                return carry2

            jax.lax.fori_loop(0, D // 16, col_body, 0, unroll=8)
            return carry

        jax.lax.fori_loop(0, TOKW, row_body, 0)
        pltpu.sync_copy(rows_v, out_hbm.at[pl.ds(tok0, TOKW)])

    return dispatch, collect


def kernel(hidden_states, W_gate, W_in, W_out):
    dispatch, collect = _sc_kernels()
    logits, pos2d, w128, base2d, ntiles2d = _run_router(hidden_states, W_gate)
    pos = pos2d.reshape(T)
    xs = dispatch(hidden_states, pos)
    outs = _run_moe(base2d.reshape(E), ntiles2d.reshape(E), xs, W_in, W_out)
    out = collect(outs, pos, w128)
    return out, logits

# --- scband reference (transcript-rebuilt; emitter-appended) ---
"""Pipeline reference for scband-sparse-mo-e-16286515987179 (READ-ONLY COPY).

The authoritative reference and input builder live on the scoring server;
editing this copy changes nothing except your own understanding.
"""

import jax, jax.numpy as jnp
import numpy as np

T, D, E, TOP_K, D_FF = 2048, 768, 64, 1, 3072

def setup_inputs(seed: int = 0) -> dict:
    key = jax.random.key(seed)
    k1, k2, k3, k4 = jax.random.split(key, 4)
    hidden_states = jax.random.normal(k1, (T, D), dtype=jnp.float32)
    W_gate = jax.random.normal(k2, (D, E), dtype=jnp.float32) * (1.0 / np.sqrt(D))
    W_in = jax.random.normal(k3, (E, D, D_FF), dtype=jnp.float32) * (1.0 / np.sqrt(D))
    W_out = jax.random.normal(k4, (E, D_FF, D), dtype=jnp.float32) * (1.0 / np.sqrt(D_FF))
    return {"hidden_states": hidden_states, "W_gate": W_gate, "W_in": W_in, "W_out": W_out}

def reference(hidden_states, W_gate, W_in, W_out):
    # router (gate linear, no bias)
    router_logits = hidden_states @ W_gate  # [T, E]
    routing_weights = jax.nn.softmax(router_logits.astype(jnp.float32), axis=-1)
    # top_k == 1 -> max(dim=-1, keepdim=True), equivalent to top_k(1)
    top_w, selected_experts = jax.lax.top_k(routing_weights, TOP_K)  # [T, 1]
    # normalize_expert_weights = False -> no renorm
    top_w = top_w.astype(hidden_states.dtype)
    final_hidden_states = jnp.zeros_like(hidden_states)
    for expert_idx in range(E):
        # mask of tokens routed to this expert (dense-masked equivalent of gather/index_add)
        mask = (selected_experts == expert_idx).astype(hidden_states.dtype)  # [T, TOP_K]
        w = jnp.sum(top_w * mask, axis=-1, keepdims=True)  # [T, 1]
        h = jax.nn.gelu(hidden_states @ W_in[expert_idx], approximate=True)
        expert_out = h @ W_out[expert_idx]
        final_hidden_states = final_hidden_states + expert_out * w
    return (final_hidden_states, router_logits)

if __name__ == "__main__":
    import jax
    _d = setup_inputs()
    print(jax.jit(kernel)(*tuple(_d.values())))

</pallas_src>

<mosaic_0001>
#map = affine_map<(d0, d1) -> (0, 0)>
#map1 = affine_map<(d0, d1) -> (0)>
module attributes {stable_mosaic.version = 14 : i64} {
  func.func @collect(%arg0: i32, %arg1: i32, %arg2: memref<4096x768xf32, #tpu.memory_space<hbm>>, %arg3: memref<2048xi32, #tpu.memory_space<hbm>>, %arg4: memref<2048x128xf32, #tpu.memory_space<hbm>>, %arg5: memref<2048x768xf32, #tpu.memory_space<hbm>>, %arg6: memref<64xi32, #tpu.memory_space<vmem>>, %arg7: memref<64x768xf32, #tpu.memory_space<vmem>>, %arg8: memref<64x128xf32, #tpu.memory_space<vmem>>, %arg9: memref<!tpu.dma_semaphore, #tpu.memory_space<semaphore_mem>>) attributes {dimension_semantics = [#tpu.dimension_semantics<core_parallel>, #tpu.dimension_semantics<subcore_parallel>], iteration_bounds = array<i64: 2, 16>, scalar_prefetch = 0 : i64, scratch_operands = 4 : i64, tpu.core_type = #tpu.core_type<sc_vector_subcore>, window_params = [{transform_indices = #map}, {transform_indices = #map1}, {transform_indices = #map}, {transform_indices = #map}]} {
    %mul3A = arith.constant 2 : i32
    %mul3A_0 = arith.muli %arg1, %mul3A : i32
    %add3A = arith.addi %mul3A_0, %arg0 : i32
    %mul3A_1 = arith.constant 64 : i32
    %mul3A_2 = arith.muli %add3A, %mul3A_1 : i32
    "tpu.region"() ({
      %run_scoped3A = tpu.sem_alloc : memref<!tpu.dma_semaphore, #tpu.memory_space<semaphore_mem>>
      %dma_start3A_12 = tpu.memref_slice %arg3[%mul3A_2] : memref<2048xi32, #tpu.memory_space<hbm>> -> memref<64xi32, #tpu.memory_space<hbm>>
      %dma_start3A_13 = tpu.memref_slice %arg3[%mul3A_2] : memref<2048xi32, #tpu.memory_space<hbm>> -> memref<64xi32, #tpu.memory_space<hbm>>
      tpu.enqueue_dma source(%dma_start3A_13 : memref<64xi32, #tpu.memory_space<hbm>>) target(%arg6 : memref<64xi32, #tpu.memory_space<vmem>>) target_semaphore(%run_scoped3A : memref<!tpu.dma_semaphore, #tpu.memory_space<semaphore_mem>>)
      %dma_wait3A_14 = tpu.memref_slice %arg3[%mul3A_2] : memref<2048xi32, #tpu.memory_space<hbm>> -> memref<64xi32, #tpu.memory_space<hbm>>
      %dma_wait3A_15 = tpu.memref_slice %arg3[%mul3A_2] : memref<2048xi32, #tpu.memory_space<hbm>> -> memref<64xi32, #tpu.memory_space<hbm>>
      tpu.wait_dma2 semaphore(%run_scoped3A : memref<!tpu.dma_semaphore, #tpu.memory_space<semaphore_mem>>) src(%dma_wait3A_15 : memref<64xi32, #tpu.memory_space<hbm>>) dst(%arg6 : memref<64xi32, #tpu.memory_space<vmem>>)
      tpu.yield
    }) : () -> ()
    "tpu.region"() ({
      %run_scoped3A = tpu.sem_alloc : memref<!tpu.dma_semaphore, #tpu.memory_space<semaphore_mem>>
      %dma_start3A_12 = arith.constant 0 : i32
      %dma_start3A_13 = tpu.memref_slice %arg4[%mul3A_2, %dma_start3A_12] : memref<2048x128xf32, #tpu.memory_space<hbm>> -> memref<64x128xf32, #tpu.memory_space<hbm>>
      %dma_start3A_14 = arith.constant 0 : i32
      %dma_start3A_15 = tpu.memref_slice %arg4[%mul3A_2, %dma_start3A_14] : memref<2048x128xf32, #tpu.memory_space<hbm>> -> memref<64x128xf32, #tpu.memory_space<hbm>>
      tpu.enqueue_dma source(%dma_start3A_15 : memref<64x128xf32, #tpu.memory_space<hbm>>) target(%arg8 : memref<64x128xf32, #tpu.memory_space<vmem>>) target_semaphore(%run_scoped3A : memref<!tpu.dma_semaphore, #tpu.memory_space<semaphore_mem>>)
      %dma_wait3A_16 = arith.constant 0 : i32
      %dma_wait3A_17 = tpu.memref_slice %arg4[%mul3A_2, %dma_wait3A_16] : memref<2048x128xf32, #tpu.memory_space<hbm>> -> memref<64x128xf32, #tpu.memory_space<hbm>>
      %dma_wait3A_18 = arith.constant 0 : i32
      %dma_wait3A_19 = tpu.memref_slice %arg4[%mul3A_2, %dma_wait3A_18] : memref<2048x128xf32, #tpu.memory_space<hbm>> -> memref<64x128xf32, #tpu.memory_space<hbm>>
      tpu.wait_dma2 semaphore(%run_scoped3A : memref<!tpu.dma_semaphore, #tpu.memory_space<semaphore_mem>>) src(%dma_wait3A_19 : memref<64x128xf32, #tpu.memory_space<hbm>>) dst(%arg8 : memref<64x128xf32, #tpu.memory_space<vmem>>)
      tpu.yield
    }) : () -> ()
    %dma_start3A = arith.constant 0 : i32
    %dma_start3A_3 = arith.constant 0 : i32
    %dma_start3A_4 = tpu.memref_slice %arg2[%dma_start3A, %dma_start3A_3] : memref<4096x768xf32, #tpu.memory_space<hbm>> -> memref<4096x768xf32, #tpu.memory_space<hbm>>
    tpu.enqueue_indirect_dma source(%dma_start3A_4 : memref<4096x768xf32, #tpu.memory_space<hbm>>) target(%arg7 : memref<64x768xf32, #tpu.memory_space<vmem>>) offsets(%arg6 : memref<64xi32, #tpu.memory_space<vmem>>) semaphore(%arg9 : memref<!tpu.dma_semaphore, #tpu.memory_space<semaphore_mem>>)
    %dma_wait3A = arith.constant 0 : i32
    %dma_wait3A_5 = arith.constant 0 : i32
    %dma_wait3A_6 = tpu.memref_slice %arg2[%dma_wait3A, %dma_wait3A_5] : memref<4096x768xf32, #tpu.memory_space<hbm>> -> memref<4096x768xf32, #tpu.memory_space<hbm>>
    tpu.wait_indirect_dma semaphore(%arg9 : memref<!tpu.dma_semaphore, #tpu.memory_space<semaphore_mem>>) src(%dma_wait3A_6 : memref<4096x768xf32, #tpu.memory_space<hbm>>) dst(%arg7 : memref<64x768xf32, #tpu.memory_space<vmem>>)
    %scan3A = arith.constant 0 : i32
    %scan3A_7 = arith.constant 0 : i32
    %scan3A_8 = arith.constant 64 : i32
    %scan3A_9 = arith.addi %scan3A_7, %scan3A_8 : i32
    %scan3A_10 = arith.constant 1 : i32
    scf.for %scan3A_12 = %scan3A_7 to %scan3A_9 step %scan3A_10  : i32 {
      %get3A = arith.index_cast %scan3A_12 : i32 to index
      %get3A_13 = arith.constant 0 : index
      %get3A_14 = tpu.vector_load %arg8[%get3A, %get3A_13] {strides = array<i32>} : memref<64x128xf32, #tpu.memory_space<vmem>>, vector<1x16xf32>,
      %get3A_15 = vector.shape_cast %get3A_14 : vector<1x16xf32> to vector<16xf32>
      %scan3A_16 = arith.constant 0 : i32
      %scan3A_17 = arith.constant 0 : i32
      %scan3A_18 = arith.constant 48 : i32
      %scan3A_19 = arith.addi %scan3A_17, %scan3A_18 : i32
      %scan3A_20 = arith.constant 8 : i32
      scf.for %scan3A_22 = %scan3A_17 to %scan3A_19 step %scan3A_20  : i32 {
        %mul3A_23 = arith.constant 16 : i32
        %mul3A_24 = arith.muli %scan3A_22, %mul3A_23 : i32
        %get3A_25 = arith.index_cast %scan3A_12 : i32 to index
        %get3A_26 = arith.index_cast %mul3A_24 : i32 to index
        %get3A_27 = tpu.vector_load %arg7[%get3A_25, %get3A_26] {strides = array<i32>} : memref<64x768xf32, #tpu.memory_space<vmem>>, vector<1x16xf32>,
        %get3A_28 = vector.shape_cast %get3A_27 : vector<1x16xf32> to vector<16xf32>
        %mul3A_29 = arith.mulf %get3A_28, %get3A_15 : vector<16xf32>
        %swap3A = arith.index_cast %scan3A_12 : i32 to index
        %swap3A_30 = arith.index_cast %mul3A_24 : i32 to index
        %swap3A_31 = tpu.vector_load %arg7[%swap3A, %swap3A_30] {strides = array<i32>} : memref<64x768xf32, #tpu.memory_space<vmem>>, vector<1x16xf32>,
        %swap3A_32 = vector.shape_cast %swap3A_31 : vector<1x16xf32> to vector<16xf32>
        %swap3A_33 = vector.shape_cast %mul3A_29 : vector<16xf32> to vector<1x16xf32>
        tpu.vector_store %arg7[%swap3A, %swap3A_30], %swap3A_33 {strides = array<i32>} : memref<64x768xf32, #tpu.memory_space<vmem>>, vector<1x16xf32>,
        %scan3A_34 = arith.constant 1 : i32
        %scan3A_35 = arith.addi %scan3A_22, %scan3A_34 : i32
        %mul3A_36 = arith.constant 16 : i32
        %mul3A_37 = arith.muli %scan3A_35, %mul3A_36 : i32
        %get3A_38 = arith.index_cast %scan3A_12 : i32 to index
        %get3A_39 = arith.index_cast %mul3A_37 : i32 to index
        %get3A_40 = tpu.vector_load %arg7[%get3A_38, %get3A_39] {strides = array<i32>} : memref<64x768xf32, #tpu.memory_space<vmem>>, vector<1x16xf32>,
        %get3A_41 = vector.shape_cast %get3A_40 : vector<1x16xf32> to vector<16xf32>
        %mul3A_42 = arith.mulf %get3A_41, %get3A_15 : vector<16xf32>
        %swap3A_43 = arith.index_cast %scan3A_12 : i32 to index
        %swap3A_44 = arith.index_cast %mul3A_37 : i32 to index
        %swap3A_45 = tpu.vector_load %arg7[%swap3A_43, %swap3A_44] {strides = array<i32>} : memref<64x768xf32, #tpu.memory_space<vmem>>, vector<1x16xf32>,
        %swap3A_46 = vector.shape_cast %swap3A_45 : vector<1x16xf32> to vector<16xf32>
        %swap3A_47 = vector.shape_cast %mul3A_42 : vector<16xf32> to vector<1x16xf32>
        tpu.vector_store %arg7[%swap3A_43, %swap3A_44], %swap3A_47 {strides = array<i32>} : memref<64x768xf32, #tpu.memory_space<vmem>>, vector<1x16xf32>,
        %scan3A_48 = arith.constant 2 : i32
        %scan3A_49 = arith.addi %scan3A_22, %scan3A_48 : i32
        %mul3A_50 = arith.constant 16 : i32
        %mul3A_51 = arith.muli %scan3A_49, %mul3A_50 : i32
        %get3A_52 = arith.index_cast %scan3A_12 : i32 to index
        %get3A_53 = arith.index_cast %mul3A_51 : i32 to index
        %get3A_54 = tpu.vector_load %arg7[%get3A_52, %get3A_53] {strides = array<i32>} : memref<64x768xf32, #tpu.memory_space<vmem>>, vector<1x16xf32>,
        %get3A_55 = vector.shape_cast %get3A_54 : vector<1x16xf32> to vector<16xf32>
        %mul3A_56 = arith.mulf %get3A_55, %get3A_15 : vector<16xf32>
        %swap3A_57 = arith.index_cast %scan3A_12 : i32 to index
        %swap3A_58 = arith.index_cast %mul3A_51 : i32 to index
        %swap3A_59 = tpu.vector_load %arg7[%swap3A_57, %swap3A_58] {strides = array<i32>} : memref<64x768xf32, #tpu.memory_space<vmem>>, vector<1x16xf32>,
        %swap3A_60 = vector.shape_cast %swap3A_59 : vector<1x16xf32> to vector<16xf32>
        %swap3A_61 = vector.shape_cast %mul3A_56 : vector<16xf32> to vector<1x16xf32>
        tpu.vector_store %arg7[%swap3A_57, %swap3A_58], %swap3A_61 {strides = array<i32>} : memref<64x768xf32, #tpu.memory_space<vmem>>, vector<1x16xf32>,
        %scan3A_62 = arith.constant 3 : i32
        %scan3A_63 = arith.addi %scan3A_22, %scan3A_62 : i32
        %mul3A_64 = arith.constant 16 : i32
        %mul3A_65 = arith.muli %scan3A_63, %mul3A_64 : i32
        %get3A_66 = arith.index_cast %scan3A_12 : i32 to index
        %get3A_67 = arith.index_cast %mul3A_65 : i32 to index
        %get3A_68 = tpu.vector_load %arg7[%get3A_66, %get3A_67] {strides = array<i32>} : memref<64x768xf32, #tpu.memory_space<vmem>>, vector<1x16xf32>,
        %get3A_69 = vector.shape_cast %get3A_68 : vector<1x16xf32> to vector<16xf32>
        %mul3A_70 = arith.mulf %get3A_69, %get3A_15 : vector<16xf32>
        %swap3A_71 = arith.index_cast %scan3A_12 : i32 to index
        %swap3A_72 = arith.index_cast %mul3A_65 : i32 to index
        %swap3A_73 = tpu.vector_load %arg7[%swap3A_71, %swap3A_72] {strides = array<i32>} : memref<64x768xf32, #tpu.memory_space<vmem>>, vector<1x16xf32>,
        %swap3A_74 = vector.shape_cast %swap3A_73 : vector<1x16xf32> to vector<16xf32>
        %swap3A_75 = vector.shape_cast %mul3A_70 : vector<16xf32> to vector<1x16xf32>
        tpu.vector_store %arg7[%swap3A_71, %swap3A_72], %swap3A_75 {strides = array<i32>} : memref<64x768xf32, #tpu.memory_space<vmem>>, vector<1x16xf32>,
        %scan3A_76 = arith.constant 4 : i32
        %scan3A_77 = arith.addi %scan3A_22, %scan3A_76 : i32
        %mul3A_78 = arith.constant 16 : i32
        %mul3A_79 = arith.muli %scan3A_77, %mul3A_78 : i32
        %get3A_80 = arith.index_cast %scan3A_12 : i32 to index
        %get3A_81 = arith.index_cast %mul3A_79 : i32 to index
        %get3A_82 = tpu.vector_load %arg7[%get3A_80, %get3A_81] {strides = array<i32>} : memref<64x768xf32, #tpu.memory_space<vmem>>, vector<1x16xf32>,
        %get3A_83 = vector.shape_cast %get3A_82 : vector<1x16xf32> to vector<16xf32>
        %mul3A_84 = arith.mulf %get3A_83, %get3A_15 : vector<16xf32>
        %swap3A_85 = arith.index_cast %scan3A_12 : i32 to index
        %swap3A_86 = arith.index_cast %mul3A_79 : i32 to index
        %swap3A_87 = tpu.vector_load %arg7[%swap3A_85, %swap3A_86] {strides = array<i32>} : memref<64x768xf32, #tpu.memory_space<vmem>>, vector<1x16xf32>,
        %swap3A_88 = vector.shape_cast %swap3A_87 : vector<1x16xf32> to vector<16xf32>
        %swap3A_89 = vector.shape_cast %mul3A_84 : vector<16xf32> to vector<1x16xf32>
        tpu.vector_store %arg7[%swap3A_85, %swap3A_86], %swap3A_89 {strides = array<i32>} : memref<64x768xf32, #tpu.memory_space<vmem>>, vector<1x16xf32>,
        %scan3A_90 = arith.constant 5 : i32
        %scan3A_91 = arith.addi %scan3A_22, %scan3A_90 : i32
        %mul3A_92 = arith.constant 16 : i32
        %mul3A_93 = arith.muli %scan3A_91, %mul3A_92 : i32
        %get3A_94 = arith.index_cast %scan3A_12 : i32 to index
        %get3A_95 = arith.index_cast %mul3A_93 : i32 to index
        %get3A_96 = tpu.vector_load %arg7[%get3A_94, %get3A_95] {strides = array<i32>} : memref<64x768xf32, #tpu.memory_space<vmem>>, vector<1x16xf32>,
        %get3A_97 = vector.shape_cast %get3A_96 : vector<1x16xf32> to vector<16xf32>
        %mul3A_98 = arith.mulf %get3A_97, %get3A_15 : vector<16xf32>
        %swap3A_99 = arith.index_cast %scan3A_12 : i32 to index
        %swap3A_100 = arith.index_cast %mul3A_93 : i32 to index
        %swap3A_101 = tpu.vector_load %arg7[%swap3A_99, %swap3A_100] {strides = array<i32>} : memref<64x768xf32, #tpu.memory_space<vmem>>, vector<1x16xf32>,
        %swap3A_102 = vector.shape_cast %swap3A_101 : vector<1x16xf32> to vector<16xf32>
        %swap3A_103 = vector.shape_cast %mul3A_98 : vector<16xf32> to vector<1x16xf32>
        tpu.vector_store %arg7[%swap3A_99, %swap3A_100], %swap3A_103 {strides = array<i32>} : memref<64x768xf32, #tpu.memory_space<vmem>>, vector<1x16xf32>,
        %scan3A_104 = arith.constant 6 : i32
        %scan3A_105 = arith.addi %scan3A_22, %scan3A_104 : i32
        %mul3A_106 = arith.constant 16 : i32
        %mul3A_107 = arith.muli %scan3A_105, %mul3A_106 : i32
        %get3A_108 = arith.index_cast %scan3A_12 : i32 to index
        %get3A_109 = arith.index_cast %mul3A_107 : i32 to index
        %get3A_110 = tpu.vector_load %arg7[%get3A_108, %get3A_109] {strides = array<i32>} : memref<64x768xf32, #tpu.memory_space<vmem>>, vector<1x16xf32>,
        %get3A_111 = vector.shape_cast %get3A_110 : vector<1x16xf32> to vector<16xf32>
        %mul3A_112 = arith.mulf %get3A_111, %get3A_15 : vector<16xf32>
        %swap3A_113 = arith.index_cast %scan3A_12 : i32 to index
        %swap3A_114 = arith.index_cast %mul3A_107 : i32 to index
        %swap3A_115 = tpu.vector_load %arg7[%swap3A_113, %swap3A_114] {strides = array<i32>} : memref<64x768xf32, #tpu.memory_space<vmem>>, vector<1x16xf32>,
        %swap3A_116 = vector.shape_cast %swap3A_115 : vector<1x16xf32> to vector<16xf32>
        %swap3A_117 = vector.shape_cast %mul3A_112 : vector<16xf32> to vector<1x16xf32>
        tpu.vector_store %arg7[%swap3A_113, %swap3A_114], %swap3A_117 {strides = array<i32>} : memref<64x768xf32, #tpu.memory_space<vmem>>, vector<1x16xf32>,
        %scan3A_118 = arith.constant 7 : i32
        %scan3A_119 = arith.addi %scan3A_22, %scan3A_118 : i32
        %mul3A_120 = arith.constant 16 : i32
        %mul3A_121 = arith.muli %scan3A_119, %mul3A_120 : i32
        %get3A_122 = arith.index_cast %scan3A_12 : i32 to index
        %get3A_123 = arith.index_cast %mul3A_121 : i32 to index
        %get3A_124 = tpu.vector_load %arg7[%get3A_122, %get3A_123] {strides = array<i32>} : memref<64x768xf32, #tpu.memory_space<vmem>>, vector<1x16xf32>,
        %get3A_125 = vector.shape_cast %get3A_124 : vector<1x16xf32> to vector<16xf32>
        %mul3A_126 = arith.mulf %get3A_125, %get3A_15 : vector<16xf32>
        %swap3A_127 = arith.index_cast %scan3A_12 : i32 to index
        %swap3A_128 = arith.index_cast %mul3A_121 : i32 to index
        %swap3A_129 = tpu.vector_load %arg7[%swap3A_127, %swap3A_128] {strides = array<i32>} : memref<64x768xf32, #tpu.memory_space<vmem>>, vector<1x16xf32>,
        %swap3A_130 = vector.shape_cast %swap3A_129 : vector<1x16xf32> to vector<16xf32>
        %swap3A_131 = vector.shape_cast %mul3A_126 : vector<16xf32> to vector<1x16xf32>
        tpu.vector_store %arg7[%swap3A_127, %swap3A_128], %swap3A_131 {strides = array<i32>} : memref<64x768xf32, #tpu.memory_space<vmem>>, vector<1x16xf32>,
      }
      %scan3A_21 = arith.constant 48 : i32
    }
    %scan3A_11 = arith.constant 64 : i32
    "tpu.region"() ({
      %run_scoped3A = tpu.sem_alloc : memref<!tpu.dma_semaphore, #tpu.memory_space<semaphore_mem>>
      %dma_start3A_12 = arith.constant 0 : i32
      %dma_start3A_13 = tpu.memref_slice %arg5[%mul3A_2, %dma_start3A_12] : memref<2048x768xf32, #tpu.memory_space<hbm>> -> memref<64x768xf32, #tpu.memory_space<hbm>>
      %dma_start3A_14 = arith.constant 0 : i32
      %dma_start3A_15 = tpu.memref_slice %arg5[%mul3A_2, %dma_start3A_14] : memref<2048x768xf32, #tpu.memory_space<hbm>> -> memref<64x768xf32, #tpu.memory_space<hbm>>
      tpu.enqueue_dma source(%arg7 : memref<64x768xf32, #tpu.memory_space<vmem>>) target(%dma_start3A_15 : memref<64x768xf32, #tpu.memory_space<hbm>>) target_semaphore(%run_scoped3A : memref<!tpu.dma_semaphore, #tpu.memory_space<semaphore_mem>>)
      %dma_wait3A_16 = arith.constant 0 : i32
      %dma_wait3A_17 = tpu.memref_slice %arg5[%mul3A_2, %dma_wait3A_16] : memref<2048x768xf32, #tpu.memory_space<hbm>> -> memref<64x768xf32, #tpu.memory_space<hbm>>
      %dma_wait3A_18 = arith.constant 0 : i32
      %dma_wait3A_19 = tpu.memref_slice %arg5[%mul3A_2, %dma_wait3A_18] : memref<2048x768xf32, #tpu.memory_space<hbm>> -> memref<64x768xf32, #tpu.memory_space<hbm>>
      tpu.wait_dma2 semaphore(%run_scoped3A : memref<!tpu.dma_semaphore, #tpu.memory_space<semaphore_mem>>) src(%arg7 : memref<64x768xf32, #tpu.memory_space<vmem>>) dst(%dma_wait3A_19 : memref<64x768xf32, #tpu.memory_space<hbm>>)
      tpu.yield
    }) : () -> ()
    return
  }
}

#map = affine_map<(d0, d1) -> (0, 0)>
#map1 = affine_map<(d0, d1) -> (0)>
module attributes {stable_mosaic.version = 14 : i64} {
  func.func @dispatch(%arg0: i32, %arg1: i32, %arg2: memref<2048x768xf32, #tpu.memory_space<hbm>>, %arg3: memref<2048xi32, #tpu.memory_space<hbm>>, %arg4: memref<4096x768xf32, #tpu.memory_space<hbm>>, %arg5: memref<64xi32, #tpu.memory_space<vmem>>, %arg6: memref<64x768xf32, #tpu.memory_space<vmem>>, %arg7: memref<!tpu.dma_semaphore, #tpu.memory_space<semaphore_mem>>) attributes {dimension_semantics = [#tpu.dimension_semantics<core_parallel>, #tpu.dimension_semantics<subcore_parallel>], iteration_bounds = array<i64: 2, 16>, scalar_prefetch = 0 : i64, scratch_operands = 3 : i64, tpu.core_type = #tpu.core_type<sc_vector_subcore>, window_params = [{transform_indices = #map}, {transform_indices = #map1}, {transform_indices = #map}]} {
    %mul3A = arith.constant 2 : i32
    %mul3A_0 = arith.muli %arg1, %mul3A : i32
    %add3A = arith.addi %mul3A_0, %arg0 : i32
    %mul3A_1 = arith.constant 64 : i32
    %mul3A_2 = arith.muli %add3A, %mul3A_1 : i32
    "tpu.region"() ({
      %run_scoped3A = tpu.sem_alloc : memref<!tpu.dma_semaphore, #tpu.memory_space<semaphore_mem>>
      %dma_start3A_7 = tpu.memref_slice %arg3[%mul3A_2] : memref<2048xi32, #tpu.memory_space<hbm>> -> memref<64xi32, #tpu.memory_space<hbm>>
      %dma_start3A_8 = tpu.memref_slice %arg3[%mul3A_2] : memref<2048xi32, #tpu.memory_space<hbm>> -> memref<64xi32, #tpu.memory_space<hbm>>
      tpu.enqueue_dma source(%dma_start3A_8 : memref<64xi32, #tpu.memory_space<hbm>>) target(%arg5 : memref<64xi32, #tpu.memory_space<vmem>>) target_semaphore(%run_scoped3A : memref<!tpu.dma_semaphore, #tpu.memory_space<semaphore_mem>>)
      %dma_wait3A_9 = tpu.memref_slice %arg3[%mul3A_2] : memref<2048xi32, #tpu.memory_space<hbm>> -> memref<64xi32, #tpu.memory_space<hbm>>
      %dma_wait3A_10 = tpu.memref_slice %arg3[%mul3A_2] : memref<2048xi32, #tpu.memory_space<hbm>> -> memref<64xi32, #tpu.memory_space<hbm>>
      tpu.wait_dma2 semaphore(%run_scoped3A : memref<!tpu.dma_semaphore, #tpu.memory_space<semaphore_mem>>) src(%dma_wait3A_10 : memref<64xi32, #tpu.memory_space<hbm>>) dst(%arg5 : memref<64xi32, #tpu.memory_space<vmem>>)
      tpu.yield
    }) : () -> ()
    "tpu.region"() ({
      %run_scoped3A = tpu.sem_alloc : memref<!tpu.dma_semaphore, #tpu.memory_space<semaphore_mem>>
      %dma_start3A_7 = arith.constant 0 : i32
      %dma_start3A_8 = tpu.memref_slice %arg2[%mul3A_2, %dma_start3A_7] : memref<2048x768xf32, #tpu.memory_space<hbm>> -> memref<64x768xf32, #tpu.memory_space<hbm>>
      %dma_start3A_9 = arith.constant 0 : i32
      %dma_start3A_10 = tpu.memref_slice %arg2[%mul3A_2, %dma_start3A_9] : memref<2048x768xf32, #tpu.memory_space<hbm>> -> memref<64x768xf32, #tpu.memory_space<hbm>>
      tpu.enqueue_dma source(%dma_start3A_10 : memref<64x768xf32, #tpu.memory_space<hbm>>) target(%arg6 : memref<64x768xf32, #tpu.memory_space<vmem>>) target_semaphore(%run_scoped3A : memref<!tpu.dma_semaphore, #tpu.memory_space<semaphore_mem>>)
      %dma_wait3A_11 = arith.constant 0 : i32
      %dma_wait3A_12 = tpu.memref_slice %arg2[%mul3A_2, %dma_wait3A_11] : memref<2048x768xf32, #tpu.memory_space<hbm>> -> memref<64x768xf32, #tpu.memory_space<hbm>>
      %dma_wait3A_13 = arith.constant 0 : i32
      %dma_wait3A_14 = tpu.memref_slice %arg2[%mul3A_2, %dma_wait3A_13] : memref<2048x768xf32, #tpu.memory_space<hbm>> -> memref<64x768xf32, #tpu.memory_space<hbm>>
      tpu.wait_dma2 semaphore(%run_scoped3A : memref<!tpu.dma_semaphore, #tpu.memory_space<semaphore_mem>>) src(%dma_wait3A_14 : memref<64x768xf32, #tpu.memory_space<hbm>>) dst(%arg6 : memref<64x768xf32, #tpu.memory_space<vmem>>)
      tpu.yield
    }) : () -> ()
    %dma_start3A = arith.constant 0 : i32
    %dma_start3A_3 = arith.constant 0 : i32
    %dma_start3A_4 = tpu.memref_slice %arg4[%dma_start3A, %dma_start3A_3] : memref<4096x768xf32, #tpu.memory_space<hbm>> -> memref<4096x768xf32, #tpu.memory_space<hbm>>
    tpu.enqueue_indirect_dma source(%arg6 : memref<64x768xf32, #tpu.memory_space<vmem>>) target(%dma_start3A_4 : memref<4096x768xf32, #tpu.memory_space<hbm>>) offsets(%arg5 : memref<64xi32, #tpu.memory_space<vmem>>) semaphore(%arg7 : memref<!tpu.dma_semaphore, #tpu.memory_space<semaphore_mem>>)
    %dma_wait3A = arith.constant 0 : i32
    %dma_wait3A_5 = arith.constant 0 : i32
    %dma_wait3A_6 = tpu.memref_slice %arg4[%dma_wait3A, %dma_wait3A_5] : memref<4096x768xf32, #tpu.memory_space<hbm>> -> memref<4096x768xf32, #tpu.memory_space<hbm>>
    tpu.wait_indirect_dma semaphore(%arg7 : memref<!tpu.dma_semaphore, #tpu.memory_space<semaphore_mem>>) src(%arg6 : memref<64x768xf32, #tpu.memory_space<vmem>>) dst(%dma_wait3A_6 : memref<4096x768xf32, #tpu.memory_space<hbm>>)
    return
  }
}

module attributes {stable_mosaic.version = 14 : i64} {
  func.func @_router_body(%arg0: memref<2048x768xf32, #tpu.memory_space<vmem>>, %arg1: memref<768x64xf32, #tpu.memory_space<vmem>>, %arg2: memref<2048x64xf32, #tpu.memory_space<vmem>>, %arg3: memref<2048x1xi32, #tpu.memory_space<vmem>>, %arg4: memref<2048x128xf32, #tpu.memory_space<vmem>>, %arg5: memref<1x64xi32, #tpu.memory_space<vmem>>, %arg6: memref<1x64xi32, #tpu.memory_space<vmem>>) attributes {dimension_semantics = [], scalar_prefetch = 0 : i64, scratch_operands = 0 : i64, tpu.core_type = #tpu.core_type<tc>} {
    %get3A = arith.constant 0 : index
    %get3A_0 = arith.constant 0 : index
    %get3A_1 = vector.load %arg0[%get3A, %get3A_0] : memref<2048x768xf32, #tpu.memory_space<vmem>>, vector<2048x768xf32>
    %get3A_2 = arith.constant 0 : index
    %get3A_3 = arith.constant 0 : index
    %get3A_4 = vector.load %arg1[%get3A_2, %get3A_3] : memref<768x64xf32, #tpu.memory_space<vmem>>, vector<768x64xf32>
    %dot_general3A = arith.constant dense<0.000000e+00> : vector<2048x64xf32>
    %dot_general3A_5 = tpu.matmul %get3A_1, %get3A_4, %dot_general3A {dimension_numbers = #tpu.dot_dimension_numbers<[1], [0], [0], [1], [0, 0, 1, 1], [], []>, transpose_lhs_hint = false} : vector<2048x768xf32>, vector<768x64xf32>, vector<2048x64xf32> -> vector<2048x64xf32>
    %swap3A = arith.constant 0 : index
    %swap3A_6 = arith.constant 0 : index
    %swap3A_7 = vector.load %arg2[%swap3A, %swap3A_6] : memref<2048x64xf32, #tpu.memory_space<vmem>>, vector<2048x64xf32>
    tpu.vector_store %arg2[%swap3A, %swap3A_6], %dot_general3A_5 {strides = array<i32>} : memref<2048x64xf32, #tpu.memory_space<vmem>>, vector<2048x64xf32>,
    %reduce_max3A = arith.constant dense<0xFF800000> : vector<2048xf32>
    %reduce_max3A_8 = vector.multi_reduction <maximumf>, %dot_general3A_5, %reduce_max3A [1] : vector<2048x64xf32> to vector<2048xf32>
    %broadcast_in_dim3A = vector.shape_cast %reduce_max3A_8 : vector<2048xf32> to vector<2048x1xf32>
    %iota3A = tpu.iota {dimensions = array<i32: 1>} : vector<2048x64xi32>
    %ge3A = vector.broadcast %broadcast_in_dim3A : vector<2048x1xf32> to vector<2048x64xf32>
    %ge3A_9 = arith.cmpf oge, %dot_general3A_5, %ge3A : vector<2048x64xf32>
    %jit3A = arith.constant 64 : i32
    %broadcast_in_dim3A_10 = vector.broadcast %jit3A : i32 to vector<2048x64xi32>
    %select_n3A = arith.select %ge3A_9, %iota3A, %broadcast_in_dim3A_10 : vector<2048x64xi1>, vector<2048x64xi32>
    %reduce_min3A = arith.constant dense<2147483647> : vector<2048xi32>
    %reduce_min3A_11 = vector.multi_reduction <minsi>, %select_n3A, %reduce_min3A [1] : vector<2048x64xi32> to vector<2048xi32>
    %broadcast_in_dim3A_12 = vector.shape_cast %reduce_min3A_11 : vector<2048xi32> to vector<2048x1xi32>
    %eq3A = vector.broadcast %broadcast_in_dim3A_12 : vector<2048x1xi32> to vector<2048x64xi32>
    %eq3A_13 = arith.cmpi eq, %iota3A, %eq3A : vector<2048x64xi32>
    %convert_element_type3A = arith.extui %eq3A_13 : vector<2048x64xi1> to vector<2048x64xi32>
    %convert_element_type3A_14 = arith.sitofp %convert_element_type3A : vector<2048x64xi32> to vector<2048x64xf32>
    %sub3A = vector.broadcast %broadcast_in_dim3A : vector<2048x1xf32> to vector<2048x64xf32>
    %sub3A_15 = arith.subf %dot_general3A_5, %sub3A : vector<2048x64xf32>
    %exp3A = math.exp %sub3A_15 : vector<2048x64xf32>
    %reduce_sum3A = arith.constant dense<0.000000e+00> : vector<2048xf32>
    %reduce_sum3A_16 = vector.multi_reduction <add>, %exp3A, %reduce_sum3A [1] : vector<2048x64xf32> to vector<2048xf32>
    %broadcast_in_dim3A_17 = vector.shape_cast %reduce_sum3A_16 : vector<2048xf32> to vector<2048x1xf32>
    %div3A = arith.constant 1.000000e+00 : f32
    %div3A_18 = vector.broadcast %div3A : f32 to vector<2048x1xf32>
    %div3A_19 = arith.divf %div3A_18, %broadcast_in_dim3A_17 : vector<2048x1xf32>
    %broadcast_in_dim3A_20 = vector.shape_cast %div3A_19 : vector<2048x1xf32> to vector<2048x1xf32>
    %broadcast_in_dim3A_21 = vector.broadcast %broadcast_in_dim3A_20 : vector<2048x1xf32> to vector<2048x128xf32>
    %swap3A_22 = arith.constant 0 : index
    %swap3A_23 = arith.constant 0 : index
    %swap3A_24 = vector.load %arg4[%swap3A_22, %swap3A_23] : memref<2048x128xf32, #tpu.memory_space<vmem>>, vector<2048x128xf32>
    tpu.vector_store %arg4[%swap3A_22, %swap3A_23], %broadcast_in_dim3A_21 {strides = array<i32>} : memref<2048x128xf32, #tpu.memory_space<vmem>>, vector<2048x128xf32>,
    %iota3A_25 = tpu.iota {dimensions = array<i32: 0>} : vector<256x256xi32>
    %iota3A_26 = tpu.iota {dimensions = array<i32: 1>} : vector<256x256xi32>
    %lt3A = arith.cmpi slt, %iota3A_26, %iota3A_25 : vector<256x256xi32>
    %convert_element_type3A_27 = arith.extui %lt3A : vector<256x256xi1> to vector<256x256xi32>
    %convert_element_type3A_28 = arith.sitofp %convert_element_type3A_27 : vector<256x256xi32> to vector<256x256xf32>
    %broadcast_in_dim3A_29 = arith.constant 0.000000e+00 : f32
    %broadcast_in_dim3A_30 = vector.broadcast %broadcast_in_dim3A_29 : f32 to vector<1x64xf32>
    %slice3A = vector.extract_strided_slice %convert_element_type3A_14 {offsets = [0, 0], sizes = [256, 64], strides = [1, 1]} : vector<2048x64xf32> to vector<256x64xf32>
    %dot_general3A_31 = arith.constant dense<0.000000e+00> : vector<256x64xf32>
    %dot_general3A_32 = tpu.matmul %convert_element_type3A_28, %slice3A, %dot_general3A_31 {dimension_numbers = #tpu.dot_dimension_numbers<[1], [0], [0], [1], [0, 0, 1, 1], [], []>, transpose_lhs_hint = false} : vector<256x256xf32>, vector<256x64xf32>, vector<256x64xf32> -> vector<256x64xf32>
    %add3A = vector.broadcast %broadcast_in_dim3A_30 : vector<1x64xf32> to vector<256x64xf32>
    %add3A_33 = arith.addf %dot_general3A_32, %add3A : vector<256x64xf32>
    %reduce_sum3A_34 = arith.constant dense<0.000000e+00> : vector<64xf32>
    %reduce_sum3A_35 = vector.multi_reduction <add>, %slice3A, %reduce_sum3A_34 [0] : vector<256x64xf32> to vector<64xf32>
    %broadcast_in_dim3A_36 = vector.shape_cast %reduce_sum3A_35 : vector<64xf32> to vector<1x64xf32>
    %add3A_37 = arith.addf %broadcast_in_dim3A_30, %broadcast_in_dim3A_36 : vector<1x64xf32>
    %slice3A_38 = vector.extract_strided_slice %convert_element_type3A_14 {offsets = [256, 0], sizes = [256, 64], strides = [1, 1]} : vector<2048x64xf32> to vector<256x64xf32>
    %dot_general3A_39 = arith.constant dense<0.000000e+00> : vector<256x64xf32>
    %dot_general3A_40 = tpu.matmul %convert_element_type3A_28, %slice3A_38, %dot_general3A_39 {dimension_numbers = #tpu.dot_dimension_numbers<[1], [0], [0], [1], [0, 0, 1, 1], [], []>, transpose_lhs_hint = false} : vector<256x256xf32>, vector<256x64xf32>, vector<256x64xf32> -> vector<256x64xf32>
    %add3A_41 = vector.broadcast %add3A_37 : vector<1x64xf32> to vector<256x64xf32>
    %add3A_42 = arith.addf %dot_general3A_40, %add3A_41 : vector<256x64xf32>
    %reduce_sum3A_43 = arith.constant dense<0.000000e+00> : vector<64xf32>
    %reduce_sum3A_44 = vector.multi_reduction <add>, %slice3A_38, %reduce_sum3A_43 [0] : vector<256x64xf32> to vector<64xf32>
    %broadcast_in_dim3A_45 = vector.shape_cast %reduce_sum3A_44 : vector<64xf32> to vector<1x64xf32>
    %add3A_46 = arith.addf %add3A_37, %broadcast_in_dim3A_45 : vector<1x64xf32>
    %slice3A_47 = vector.extract_strided_slice %convert_element_type3A_14 {offsets = [512, 0], sizes = [256, 64], strides = [1, 1]} : vector<2048x64xf32> to vector<256x64xf32>
    %dot_general3A_48 = arith.constant dense<0.000000e+00> : vector<256x64xf32>
    %dot_general3A_49 = tpu.matmul %convert_element_type3A_28, %slice3A_47, %dot_general3A_48 {dimension_numbers = #tpu.dot_dimension_numbers<[1], [0], [0], [1], [0, 0, 1, 1], [], []>, transpose_lhs_hint = false} : vector<256x256xf32>, vector<256x64xf32>, vector<256x64xf32> -> vector<256x64xf32>
    %add3A_50 = vector.broadcast %add3A_46 : vector<1x64xf32> to vector<256x64xf32>
    %add3A_51 = arith.addf %dot_general3A_49, %add3A_50 : vector<256x64xf32>
    %reduce_sum3A_52 = arith.constant dense<0.000000e+00> : vector<64xf32>
    %reduce_sum3A_53 = vector.multi_reduction <add>, %slice3A_47, %reduce_sum3A_52 [0] : vector<256x64xf32> to vector<64xf32>
    %broadcast_in_dim3A_54 = vector.shape_cast %reduce_sum3A_53 : vector<64xf32> to vector<1x64xf32>
    %add3A_55 = arith.addf %add3A_46, %broadcast_in_dim3A_54 : vector<1x64xf32>
    %slice3A_56 = vector.extract_strided_slice %convert_element_type3A_14 {offsets = [768, 0], sizes = [256, 64], strides = [1, 1]} : vector<2048x64xf32> to vector<256x64xf32>
    %dot_general3A_57 = arith.constant dense<0.000000e+00> : vector<256x64xf32>
    %dot_general3A_58 = tpu.matmul %convert_element_type3A_28, %slice3A_56, %dot_general3A_57 {dimension_numbers = #tpu.dot_dimension_numbers<[1], [0], [0], [1], [0, 0, 1, 1], [], []>, transpose_lhs_hint = false} : vector<256x256xf32>, vector<256x64xf32>, vector<256x64xf32> -> vector<256x64xf32>
    %add3A_59 = vector.broadcast %add3A_55 : vector<1x64xf32> to vector<256x64xf32>
    %add3A_60 = arith.addf %dot_general3A_58, %add3A_59 : vector<256x64xf32>
    %reduce_sum3A_61 = arith.constant dense<0.000000e+00> : vector<64xf32>
    %reduce_sum3A_62 = vector.multi_reduction <add>, %slice3A_56, %reduce_sum3A_61 [0] : vector<256x64xf32> to vector<64xf32>
    %broadcast_in_dim3A_63 = vector.shape_cast %reduce_sum3A_62 : vector<64xf32> to vector<1x64xf32>
    %add3A_64 = arith.addf %add3A_55, %broadcast_in_dim3A_63 : vector<1x64xf32>
    %slice3A_65 = vector.extract_strided_slice %convert_element_type3A_14 {offsets = [1024, 0], sizes = [256, 64], strides = [1, 1]} : vector<2048x64xf32> to vector<256x64xf32>
    %dot_general3A_66 = arith.constant dense<0.000000e+00> : vector<256x64xf32>
    %dot_general3A_67 = tpu.matmul %convert_element_type3A_28, %slice3A_65, %dot_general3A_66 {dimension_numbers = #tpu.dot_dimension_numbers<[1], [0], [0], [1], [0, 0, 1, 1], [], []>, transpose_lhs_hint = false} : vector<256x256xf32>, vector<256x64xf32>, vector<256x64xf32> -> vector<256x64xf32>
    %add3A_68 = vector.broadcast %add3A_64 : vector<1x64xf32> to vector<256x64xf32>
    %add3A_69 = arith.addf %dot_general3A_67, %add3A_68 : vector<256x64xf32>
    %reduce_sum3A_70 = arith.constant dense<0.000000e+00> : vector<64xf32>
    %reduce_sum3A_71 = vector.multi_reduction <add>, %slice3A_65, %reduce_sum3A_70 [0] : vector<256x64xf32> to vector<64xf32>
    %broadcast_in_dim3A_72 = vector.shape_cast %reduce_sum3A_71 : vector<64xf32> to vector<1x64xf32>
    %add3A_73 = arith.addf %add3A_64, %broadcast_in_dim3A_72 : vector<1x64xf32>
    %slice3A_74 = vector.extract_strided_slice %convert_element_type3A_14 {offsets = [1280, 0], sizes = [256, 64], strides = [1, 1]} : vector<2048x64xf32> to vector<256x64xf32>
    %dot_general3A_75 = arith.constant dense<0.000000e+00> : vector<256x64xf32>
    %dot_general3A_76 = tpu.matmul %convert_element_type3A_28, %slice3A_74, %dot_general3A_75 {dimension_numbers = #tpu.dot_dimension_numbers<[1], [0], [0], [1], [0, 0, 1, 1], [], []>, transpose_lhs_hint = false} : vector<256x256xf32>, vector<256x64xf32>, vector<256x64xf32> -> vector<256x64xf32>
    %add3A_77 = vector.broadcast %add3A_73 : vector<1x64xf32> to vector<256x64xf32>
    %add3A_78 = arith.addf %dot_general3A_76, %add3A_77 : vector<256x64xf32>
    %reduce_sum3A_79 = arith.constant dense<0.000000e+00> : vector<64xf32>
    %reduce_sum3A_80 = vector.multi_reduction <add>, %slice3A_74, %reduce_sum3A_79 [0] : vector<256x64xf32> to vector<64xf32>
    %broadcast_in_dim3A_81 = vector.shape_cast %reduce_sum3A_80 : vector<64xf32> to vector<1x64xf32>
    %add3A_82 = arith.addf %add3A_73, %broadcast_in_dim3A_81 : vector<1x64xf32>
    %slice3A_83 = vector.extract_strided_slice %convert_element_type3A_14 {offsets = [1536, 0], sizes = [256, 64], strides = [1, 1]} : vector<2048x64xf32> to vector<256x64xf32>
    %dot_general3A_84 = arith.constant dense<0.000000e+00> : vector<256x64xf32>
    %dot_general3A_85 = tpu.matmul %convert_element_type3A_28, %slice3A_83, %dot_general3A_84 {dimension_numbers = #tpu.dot_dimension_numbers<[1], [0], [0], [1], [0, 0, 1, 1], [], []>, transpose_lhs_hint = false} : vector<256x256xf32>, vector<256x64xf32>, vector<256x64xf32> -> vector<256x64xf32>
    %add3A_86 = vector.broadcast %add3A_82 : vector<1x64xf32> to vector<256x64xf32>
    %add3A_87 = arith.addf %dot_general3A_85, %add3A_86 : vector<256x64xf32>
    %reduce_sum3A_88 = arith.constant dense<0.000000e+00> : vector<64xf32>
    %reduce_sum3A_89 = vector.multi_reduction <add>, %slice3A_83, %reduce_sum3A_88 [0] : vector<256x64xf32> to vector<64xf32>
    %broadcast_in_dim3A_90 = vector.shape_cast %reduce_sum3A_89 : vector<64xf32> to vector<1x64xf32>
    %add3A_91 = arith.addf %add3A_82, %broadcast_in_dim3A_90 : vector<1x64xf32>
    %slice3A_92 = vector.extract_strided_slice %convert_element_type3A_14 {offsets = [1792, 0], sizes = [256, 64], strides = [1, 1]} : vector<2048x64xf32> to vector<256x64xf32>
    %dot_general3A_93 = arith.constant dense<0.000000e+00> : vector<256x64xf32>
    %dot_general3A_94 = tpu.matmul %convert_element_type3A_28, %slice3A_92, %dot_general3A_93 {dimension_numbers = #tpu.dot_dimension_numbers<[1], [0], [0], [1], [0, 0, 1, 1], [], []>, transpose_lhs_hint = false} : vector<256x256xf32>, vector<256x64xf32>, vector<256x64xf32> -> vector<256x64xf32>
    %add3A_95 = vector.broadcast %add3A_91 : vector<1x64xf32> to vector<256x64xf32>
    %add3A_96 = arith.addf %dot_general3A_94, %add3A_95 : vector<256x64xf32>
    %reduce_sum3A_97 = arith.constant dense<0.000000e+00> : vector<64xf32>
    %reduce_sum3A_98 = vector.multi_reduction <add>, %slice3A_92, %reduce_sum3A_97 [0] : vector<256x64xf32> to vector<64xf32>
    %broadcast_in_dim3A_99 = vector.shape_cast %reduce_sum3A_98 : vector<64xf32> to vector<1x64xf32>
    %add3A_100 = arith.addf %add3A_91, %broadcast_in_dim3A_99 : vector<1x64xf32>
    %concatenate3A = tpu.concatenate %add3A_33, %add3A_42, %add3A_51, %add3A_60, %add3A_69, %add3A_78, %add3A_87, %add3A_96 in 0 : vector<256x64xf32>, vector<256x64xf32>, vector<256x64xf32>, vector<256x64xf32>, vector<256x64xf32>, vector<256x64xf32>, vector<256x64xf32>, vector<256x64xf32> -> vector<2048x64xf32>
    %add3A_101 = arith.constant 3.100000e+01 : f32
    %add3A_102 = vector.broadcast %add3A_101 : f32 to vector<1x64xf32>
    %add3A_103 = arith.addf %add3A_100, %add3A_102 : vector<1x64xf32>
    %div3A_104 = arith.constant 3.200000e+01 : f32
    %div3A_105 = vector.broadcast %div3A_104 : f32 to vector<1x64xf32>
    %div3A_106 = arith.divf %add3A_103, %div3A_105 : vector<1x64xf32>
    %floor3A = math.floor %div3A_106 : vector<1x64xf32>
    %mul3A = arith.constant 3.200000e+01 : f32
    %mul3A_107 = vector.broadcast %mul3A : f32 to vector<1x64xf32>
    %mul3A_108 = arith.mulf %floor3A, %mul3A_107 : vector<1x64xf32>
    %iota3A_109 = tpu.iota {dimensions = array<i32: 0>} : vector<64x64xi32>
    %iota3A_110 = tpu.iota {dimensions = array<i32: 1>} : vector<64x64xi32>
    %lt3A_111 = arith.cmpi slt, %iota3A_109, %iota3A_110 : vector<64x64xi32>
    %convert_element_type3A_112 = arith.extui %lt3A_111 : vector<64x64xi1> to vector<64x64xi32>
    %convert_element_type3A_113 = arith.sitofp %convert_element_type3A_112 : vector<64x64xi32> to vector<64x64xf32>
    %reshape3A = vector.shape_cast %mul3A_108 : vector<1x64xf32> to vector<64x1xf32>
    %mul3A_114 = vector.broadcast %reshape3A : vector<64x1xf32> to vector<64x64xf32>
    %mul3A_115 = arith.mulf %convert_element_type3A_113, %mul3A_114 : vector<64x64xf32>
    %reduce_sum3A_116 = arith.constant dense<0.000000e+00> : vector<64xf32>
    %reduce_sum3A_117 = vector.multi_reduction <add>, %mul3A_115, %reduce_sum3A_116 [0] : vector<64x64xf32> to vector<64xf32>
    %broadcast_in_dim3A_118 = vector.shape_cast %reduce_sum3A_117 : vector<64xf32> to vector<1x64xf32>
    %add3A_119 = vector.broadcast %broadcast_in_dim3A_118 : vector<1x64xf32> to vector<2048x64xf32>
    %add3A_120 = arith.addf %concatenate3A, %add3A_119 : vector<2048x64xf32>
    %mul3A_121 = arith.mulf %convert_element_type3A_14, %add3A_120 : vector<2048x64xf32>
    %reduce_sum3A_122 = arith.constant dense<0.000000e+00> : vector<2048xf32>
    %reduce_sum3A_123 = vector.multi_reduction <add>, %mul3A_121, %reduce_sum3A_122 [1] : vector<2048x64xf32> to vector<2048xf32>
    %broadcast_in_dim3A_124 = vector.shape_cast %reduce_sum3A_123 : vector<2048xf32> to vector<2048x1xf32>
    %convert_element_type3A_125 = arith.fptosi %broadcast_in_dim3A_124 : vector<2048x1xf32> to vector<2048x1xi32>
    %swap3A_126 = arith.constant 0 : index
    %swap3A_127 = arith.constant 0 : index
    %swap3A_128 = vector.load %arg3[%swap3A_126, %swap3A_127] : memref<2048x1xi32, #tpu.memory_space<vmem>>, vector<2048x1xi32>
    tpu.vector_store %arg3[%swap3A_126, %swap3A_127], %convert_element_type3A_125 {strides = array<i32>} : memref<2048x1xi32, #tpu.memory_space<vmem>>, vector<2048x1xi32>,
    %convert_element_type3A_129 = arith.fptosi %broadcast_in_dim3A_118 : vector<1x64xf32> to vector<1x64xi32>
    %swap3A_130 = arith.constant 0 : index
    %swap3A_131 = arith.constant 0 : index
    %swap3A_132 = vector.load %arg5[%swap3A_130, %swap3A_131] : memref<1x64xi32, #tpu.memory_space<vmem>>, vector<1x64xi32>
    tpu.vector_store %arg5[%swap3A_130, %swap3A_131], %convert_element_type3A_129 {strides = array<i32>} : memref<1x64xi32, #tpu.memory_space<vmem>>, vector<1x64xi32>,
    %convert_element_type3A_133 = arith.fptosi %floor3A : vector<1x64xf32> to vector<1x64xi32>
    %swap3A_134 = arith.constant 0 : index
    %swap3A_135 = arith.constant 0 : index
    %swap3A_136 = vector.load %arg6[%swap3A_134, %swap3A_135] : memref<1x64xi32, #tpu.memory_space<vmem>>, vector<1x64xi32>
    tpu.vector_store %arg6[%swap3A_134, %swap3A_135], %convert_element_type3A_133 {strides = array<i32>} : memref<1x64xi32, #tpu.memory_space<vmem>>, vector<1x64xi32>,
    return
  }
}

module attributes {stable_mosaic.version = 14 : i64} {
  func.func @_moe_body(%arg0: i32, %arg1: i32, %arg2: memref<64xi32, #tpu.memory_space<smem>>, %arg3: memref<64xi32, #tpu.memory_space<smem>>, %arg4: memref<4096x768xf32, #tpu.memory_space<vmem>>, %arg5: memref<64x768x3072xf32, #tpu.memory_space<hbm>>, %arg6: memref<64x3072x768xf32, #tpu.memory_space<hbm>>, %arg7: memref<4096x768xf32, #tpu.memory_space<vmem>>, %arg8: memref<3x768x1536xf32, #tpu.memory_space<vmem>>, %arg9: memref<3x1536x768xf32, #tpu.memory_space<vmem>>, %arg10: memref<3x!tpu.dma_semaphore, #tpu.memory_space<semaphore_mem>>, %arg11: memref<3x!tpu.dma_semaphore, #tpu.memory_space<semaphore_mem>>) attributes {dimension_semantics = [#tpu.dimension_semantics<arbitrary>, #tpu.dimension_semantics<arbitrary>], iteration_bounds = array<i64: 64, 2>, scalar_prefetch = 2 : i64, scratch_operands = 4 : i64, tpu.core_type = #tpu.core_type<tc>, window_params = [{pipeline_mode = #tpu.pipeline_mode<synchronous>, transform_indices = @transform_0, window_bounds = array<i64: 4096, 768>}, {}, {}, {pipeline_mode = #tpu.pipeline_mode<synchronous>, transform_indices = @transform_3, window_bounds = array<i64: 4096, 768>}]} {
    %mul3A = arith.constant 2 : i32
    %mul3A_0 = arith.muli %arg0, %mul3A : i32
    %add3A = arith.addi %mul3A_0, %arg1 : i32
    %get3A = arith.index_cast %arg0 : i32 to index
    %get3A_1 = memref.load %arg2[%get3A] : memref<64xi32, #tpu.memory_space<smem>>
    %get3A_2 = arith.index_cast %arg0 : i32 to index
    %get3A_3 = memref.load %arg3[%get3A_2] : memref<64xi32, #tpu.memory_space<smem>>
    %eq3A = arith.constant 0 : i32
    %eq3A_4 = arith.cmpi eq, %add3A, %eq3A : i32
    %convert_element_type3A = arith.extui %eq3A_4 : i1 to i32
    %cond3A = arith.constant 0 : i32
    %cond3A_5 = arith.cmpi ne, %convert_element_type3A, %cond3A : i32
    scf.if %cond3A_5 {
      %dma_start3A = arith.constant 0 : i32
      %dma_start3A_246 = arith.constant 0 : i32
      %dma_start3A_247 = arith.constant 0 : i32
      %dma_start3A_248 = tpu.memref_slice %arg10[%dma_start3A_247] : memref<3x!tpu.dma_semaphore, #tpu.memory_space<semaphore_mem>> -> memref<1x!tpu.dma_semaphore, #tpu.memory_space<semaphore_mem>>
      %dma_start3A_249 = tpu.memref_squeeze %dma_start3A_248 : memref<1x!tpu.dma_semaphore, #tpu.memory_space<semaphore_mem>> -> memref<!tpu.dma_semaphore, #tpu.memory_space<semaphore_mem>>
      %dma_start3A_250 = arith.constant 0 : i32
      %dma_start3A_251 = arith.constant 0 : i32
      %dma_start3A_252 = tpu.memref_slice %arg8[%dma_start3A_246, %dma_start3A_250, %dma_start3A_251] : memref<3x768x1536xf32, #tpu.memory_space<vmem>> -> memref<1x192x1536xf32, #tpu.memory_space<vmem>>
      %dma_start3A_253 = tpu.memref_squeeze %dma_start3A_252 : memref<1x192x1536xf32, #tpu.memory_space<vmem>> -> memref<192x1536xf32, #tpu.memory_space<vmem>>
      %dma_start3A_254 = arith.constant 0 : i32
      %dma_start3A_255 = arith.constant 0 : i32
      %dma_start3A_256 = tpu.memref_slice %arg5[%dma_start3A, %dma_start3A_254, %dma_start3A_255] : memref<64x768x3072xf32, #tpu.memory_space<hbm>> -> memref<1x192x1536xf32, #tpu.memory_space<hbm>>
      %dma_start3A_257 = tpu.memref_squeeze %dma_start3A_256 : memref<1x192x1536xf32, #tpu.memory_space<hbm>> -> memref<192x1536xf32, #tpu.memory_space<hbm>>
      tpu.enqueue_dma source(%dma_start3A_257 : memref<192x1536xf32, #tpu.memory_space<hbm>>) target(%dma_start3A_253 : memref<192x1536xf32, #tpu.memory_space<vmem>>) target_semaphore(%dma_start3A_249 : memref<!tpu.dma_semaphore, #tpu.memory_space<semaphore_mem>>)
      %dma_start3A_258 = arith.constant 0 : i32
      %dma_start3A_259 = arith.constant 0 : i32
      %dma_start3A_260 = arith.constant 0 : i32
      %dma_start3A_261 = tpu.memref_slice %arg10[%dma_start3A_260] : memref<3x!tpu.dma_semaphore, #tpu.memory_space<semaphore_mem>> -> memref<1x!tpu.dma_semaphore, #tpu.memory_space<semaphore_mem>>
      %dma_start3A_262 = tpu.memref_squeeze %dma_start3A_261 : memref<1x!tpu.dma_semaphore, #tpu.memory_space<semaphore_mem>> -> memref<!tpu.dma_semaphore, #tpu.memory_space<semaphore_mem>>
      %dma_start3A_263 = arith.constant 192 : i32
      %dma_start3A_264 = arith.constant 0 : i32
      %dma_start3A_265 = tpu.memref_slice %arg8[%dma_start3A_259, %dma_start3A_263, %dma_start3A_264] : memref<3x768x1536xf32, #tpu.memory_space<vmem>> -> memref<1x192x1536xf32, #tpu.memory_space<vmem>>
      %dma_start3A_266 = tpu.memref_squeeze %dma_start3A_265 : memref<1x192x1536xf32, #tpu.memory_space<vmem>> -> memref<192x1536xf32, #tpu.memory_space<vmem>>
      %dma_start3A_267 = arith.constant 192 : i32
      %dma_start3A_268 = arith.constant 0 : i32
      %dma_start3A_269 = tpu.memref_slice %arg5[%dma_start3A_258, %dma_start3A_267, %dma_start3A_268] : memref<64x768x3072xf32, #tpu.memory_space<hbm>> -> memref<1x192x1536xf32, #tpu.memory_space<hbm>>
      %dma_start3A_270 = tpu.memref_squeeze %dma_start3A_269 : memref<1x192x1536xf32, #tpu.memory_space<hbm>> -> memref<192x1536xf32, #tpu.memory_space<hbm>>
      tpu.enqueue_dma source(%dma_start3A_270 : memref<192x1536xf32, #tpu.memory_space<hbm>>) target(%dma_start3A_266 : memref<192x1536xf32, #tpu.memory_space<vmem>>) target_semaphore(%dma_start3A_262 : memref<!tpu.dma_semaphore, #tpu.memory_space<semaphore_mem>>)
      %dma_start3A_271 = arith.constant 0 : i32
      %dma_start3A_272 = arith.constant 0 : i32
      %dma_start3A_273 = arith.constant 0 : i32
      %dma_start3A_274 = tpu.memref_slice %arg10[%dma_start3A_273] : memref<3x!tpu.dma_semaphore, #tpu.memory_space<semaphore_mem>> -> memref<1x!tpu.dma_semaphore, #tpu.memory_space<semaphore_mem>>
      %dma_start3A_275 = tpu.memref_squeeze %dma_start3A_274 : memref<1x!tpu.dma_semaphore, #tpu.memory_space<semaphore_mem>> -> memref<!tpu.dma_semaphore, #tpu.memory_space<semaphore_mem>>
      %dma_start3A_276 = arith.constant 384 : i32
      %dma_start3A_277 = arith.constant 0 : i32
      %dma_start3A_278 = tpu.memref_slice %arg8[%dma_start3A_272, %dma_start3A_276, %dma_start3A_277] : memref<3x768x1536xf32, #tpu.memory_space<vmem>> -> memref<1x192x1536xf32, #tpu.memory_space<vmem>>
      %dma_start3A_279 = tpu.memref_squeeze %dma_start3A_278 : memref<1x192x1536xf32, #tpu.memory_space<vmem>> -> memref<192x1536xf32, #tpu.memory_space<vmem>>
      %dma_start3A_280 = arith.constant 384 : i32
      %dma_start3A_281 = arith.constant 0 : i32
      %dma_start3A_282 = tpu.memref_slice %arg5[%dma_start3A_271, %dma_start3A_280, %dma_start3A_281] : memref<64x768x3072xf32, #tpu.memory_space<hbm>> -> memref<1x192x1536xf32, #tpu.memory_space<hbm>>
      %dma_start3A_283 = tpu.memref_squeeze %dma_start3A_282 : memref<1x192x1536xf32, #tpu.memory_space<hbm>> -> memref<192x1536xf32, #tpu.memory_space<hbm>>
      tpu.enqueue_dma source(%dma_start3A_283 : memref<192x1536xf32, #tpu.memory_space<hbm>>) target(%dma_start3A_279 : memref<192x1536xf32, #tpu.memory_space<vmem>>) target_semaphore(%dma_start3A_275 : memref<!tpu.dma_semaphore, #tpu.memory_space<semaphore_mem>>)
      %dma_start3A_284 = arith.constant 0 : i32
      %dma_start3A_285 = arith.constant 0 : i32
      %dma_start3A_286 = arith.constant 0 : i32
      %dma_start3A_287 = tpu.memref_slice %arg10[%dma_start3A_286] : memref<3x!tpu.dma_semaphore, #tpu.memory_space<semaphore_mem>> -> memref<1x!tpu.dma_semaphore, #tpu.memory_space<semaphore_mem>>
      %dma_start3A_288 = tpu.memref_squeeze %dma_start3A_287 : memref<1x!tpu.dma_semaphore, #tpu.memory_space<semaphore_mem>> -> memref<!tpu.dma_semaphore, #tpu.memory_space<semaphore_mem>>
      %dma_start3A_289 = arith.constant 576 : i32
      %dma_start3A_290 = arith.constant 0 : i32
      %dma_start3A_291 = tpu.memref_slice %arg8[%dma_start3A_285, %dma_start3A_289, %dma_start3A_290] : memref<3x768x1536xf32, #tpu.memory_space<vmem>> -> memref<1x192x1536xf32, #tpu.memory_space<vmem>>
      %dma_start3A_292 = tpu.memref_squeeze %dma_start3A_291 : memref<1x192x1536xf32, #tpu.memory_space<vmem>> -> memref<192x1536xf32, #tpu.memory_space<vmem>>
      %dma_start3A_293 = arith.constant 576 : i32
      %dma_start3A_294 = arith.constant 0 : i32
      %dma_start3A_295 = tpu.memref_slice %arg5[%dma_start3A_284, %dma_start3A_293, %dma_start3A_294] : memref<64x768x3072xf32, #tpu.memory_space<hbm>> -> memref<1x192x1536xf32, #tpu.memory_space<hbm>>
      %dma_start3A_296 = tpu.memref_squeeze %dma_start3A_295 : memref<1x192x1536xf32, #tpu.memory_space<hbm>> -> memref<192x1536xf32, #tpu.memory_space<hbm>>
      tpu.enqueue_dma source(%dma_start3A_296 : memref<192x1536xf32, #tpu.memory_space<hbm>>) target(%dma_start3A_292 : memref<192x1536xf32, #tpu.memory_space<vmem>>) target_semaphore(%dma_start3A_288 : memref<!tpu.dma_semaphore, #tpu.memory_space<semaphore_mem>>)
      %dma_start3A_297 = arith.constant 0 : i32
      %dma_start3A_298 = arith.constant 0 : i32
      %dma_start3A_299 = arith.constant 0 : i32
      %dma_start3A_300 = tpu.memref_slice %arg11[%dma_start3A_299] : memref<3x!tpu.dma_semaphore, #tpu.memory_space<semaphore_mem>> -> memref<1x!tpu.dma_semaphore, #tpu.memory_space<semaphore_mem>>
      %dma_start3A_301 = tpu.memref_squeeze %dma_start3A_300 : memref<1x!tpu.dma_semaphore, #tpu.memory_space<semaphore_mem>> -> memref<!tpu.dma_semaphore, #tpu.memory_space<semaphore_mem>>
      %dma_start3A_302 = arith.constant 0 : i32
      %dma_start3A_303 = arith.constant 0 : i32
      %dma_start3A_304 = tpu.memref_slice %arg9[%dma_start3A_298, %dma_start3A_302, %dma_start3A_303] : memref<3x1536x768xf32, #tpu.memory_space<vmem>> -> memref<1x384x768xf32, #tpu.memory_space<vmem>>
      %dma_start3A_305 = tpu.memref_squeeze %dma_start3A_304 : memref<1x384x768xf32, #tpu.memory_space<vmem>> -> memref<384x768xf32, #tpu.memory_space<vmem>>
      %dma_start3A_306 = arith.constant 0 : i32
      %dma_start3A_307 = arith.constant 0 : i32
      %dma_start3A_308 = tpu.memref_slice %arg6[%dma_start3A_297, %dma_start3A_306, %dma_start3A_307] : memref<64x3072x768xf32, #tpu.memory_space<hbm>> -> memref<1x384x768xf32, #tpu.memory_space<hbm>>
      %dma_start3A_309 = tpu.memref_squeeze %dma_start3A_308 : memref<1x384x768xf32, #tpu.memory_space<hbm>> -> memref<384x768xf32, #tpu.memory_space<hbm>>
      tpu.enqueue_dma source(%dma_start3A_309 : memref<384x768xf32, #tpu.memory_space<hbm>>) target(%dma_start3A_305 : memref<384x768xf32, #tpu.memory_space<vmem>>) target_semaphore(%dma_start3A_301 : memref<!tpu.dma_semaphore, #tpu.memory_space<semaphore_mem>>)
      %dma_start3A_310 = arith.constant 0 : i32
      %dma_start3A_311 = arith.constant 0 : i32
      %dma_start3A_312 = arith.constant 0 : i32
      %dma_start3A_313 = tpu.memref_slice %arg11[%dma_start3A_312] : memref<3x!tpu.dma_semaphore, #tpu.memory_space<semaphore_mem>> -> memref<1x!tpu.dma_semaphore, #tpu.memory_space<semaphore_mem>>
      %dma_start3A_314 = tpu.memref_squeeze %dma_start3A_313 : memref<1x!tpu.dma_semaphore, #tpu.memory_space<semaphore_mem>> -> memref<!tpu.dma_semaphore, #tpu.memory_space<semaphore_mem>>
      %dma_start3A_315 = arith.constant 384 : i32
      %dma_start3A_316 = arith.constant 0 : i32
      %dma_start3A_317 = tpu.memref_slice %arg9[%dma_start3A_311, %dma_start3A_315, %dma_start3A_316] : memref<3x1536x768xf32, #tpu.memory_space<vmem>> -> memref<1x384x768xf32, #tpu.memory_space<vmem>>
      %dma_start3A_318 = tpu.memref_squeeze %dma_start3A_317 : memref<1x384x768xf32, #tpu.memory_space<vmem>> -> memref<384x768xf32, #tpu.memory_space<vmem>>
      %dma_start3A_319 = arith.constant 384 : i32
      %dma_start3A_320 = arith.constant 0 : i32
      %dma_start3A_321 = tpu.memref_slice %arg6[%dma_start3A_310, %dma_start3A_319, %dma_start3A_320] : memref<64x3072x768xf32, #tpu.memory_space<hbm>> -> memref<1x384x768xf32, #tpu.memory_space<hbm>>
      %dma_start3A_322 = tpu.memref_squeeze %dma_start3A_321 : memref<1x384x768xf32, #tpu.memory_space<hbm>> -> memref<384x768xf32, #tpu.memory_space<hbm>>
      tpu.enqueue_dma source(%dma_start3A_322 : memref<384x768xf32, #tpu.memory_space<hbm>>) target(%dma_start3A_318 : memref<384x768xf32, #tpu.memory_space<vmem>>) target_semaphore(%dma_start3A_314 : memref<!tpu.dma_semaphore, #tpu.memory_space<semaphore_mem>>)
      %dma_start3A_323 = arith.constant 0 : i32
      %dma_start3A_324 = arith.constant 0 : i32
      %dma_start3A_325 = arith.constant 0 : i32
      %dma_start3A_326 = tpu.memref_slice %arg11[%dma_start3A_325] : memref<3x!tpu.dma_semaphore, #tpu.memory_space<semaphore_mem>> -> memref<1x!tpu.dma_semaphore, #tpu.memory_space<semaphore_mem>>
      %dma_start3A_327 = tpu.memref_squeeze %dma_start3A_326 : memref<1x!tpu.dma_semaphore, #tpu.memory_space<semaphore_mem>> -> memref<!tpu.dma_semaphore, #tpu.memory_space<semaphore_mem>>
      %dma_start3A_328 = arith.constant 768 : i32
      %dma_start3A_329 = arith.constant 0 : i32
      %dma_start3A_330 = tpu.memref_slice %arg9[%dma_start3A_324, %dma_start3A_328, %dma_start3A_329] : memref<3x1536x768xf32, #tpu.memory_space<vmem>> -> memref<1x384x768xf32, #tpu.memory_space<vmem>>
      %dma_start3A_331 = tpu.memref_squeeze %dma_start3A_330 : memref<1x384x768xf32, #tpu.memory_space<vmem>> -> memref<384x768xf32, #tpu.memory_space<vmem>>
      %dma_start3A_332 = arith.constant 768 : i32
      %dma_start3A_333 = arith.constant 0 : i32
      %dma_start3A_334 = tpu.memref_slice %arg6[%dma_start3A_323, %dma_start3A_332, %dma_start3A_333] : memref<64x3072x768xf32, #tpu.memory_space<hbm>> -> memref<1x384x768xf32, #tpu.memory_space<hbm>>
      %dma_start3A_335 = tpu.memref_squeeze %dma_start3A_334 : memref<1x384x768xf32, #tpu.memory_space<hbm>> -> memref<384x768xf32, #tpu.memory_space<hbm>>
      tpu.enqueue_dma source(%dma_start3A_335 : memref<384x768xf32, #tpu.memory_space<hbm>>) target(%dma_start3A_331 : memref<384x768xf32, #tpu.memory_space<vmem>>) target_semaphore(%dma_start3A_327 : memref<!tpu.dma_semaphore, #tpu.memory_space<semaphore_mem>>)
      %dma_start3A_336 = arith.constant 0 : i32
      %dma_start3A_337 = arith.constant 0 : i32
      %dma_start3A_338 = arith.constant 0 : i32
      %dma_start3A_339 = tpu.memref_slice %arg11[%dma_start3A_338] : memref<3x!tpu.dma_semaphore, #tpu.memory_space<semaphore_mem>> -> memref<1x!tpu.dma_semaphore, #tpu.memory_space<semaphore_mem>>
      %dma_start3A_340 = tpu.memref_squeeze %dma_start3A_339 : memref<1x!tpu.dma_semaphore, #tpu.memory_space<semaphore_mem>> -> memref<!tpu.dma_semaphore, #tpu.memory_space<semaphore_mem>>
      %dma_start3A_341 = arith.constant 1152 : i32
      %dma_start3A_342 = arith.constant 0 : i32
      %dma_start3A_343 = tpu.memref_slice %arg9[%dma_start3A_337, %dma_start3A_341, %dma_start3A_342] : memref<3x1536x768xf32, #tpu.memory_space<vmem>> -> memref<1x384x768xf32, #tpu.memory_space<vmem>>
      %dma_start3A_344 = tpu.memref_squeeze %dma_start3A_343 : memref<1x384x768xf32, #tpu.memory_space<vmem>> -> memref<384x768xf32, #tpu.memory_space<vmem>>
      %dma_start3A_345 = arith.constant 1152 : i32
      %dma_start3A_346 = arith.constant 0 : i32
      %dma_start3A_347 = tpu.memref_slice %arg6[%dma_start3A_336, %dma_start3A_345, %dma_start3A_346] : memref<64x3072x768xf32, #tpu.memory_space<hbm>> -> memref<1x384x768xf32, #tpu.memory_space<hbm>>
      %dma_start3A_348 = tpu.memref_squeeze %dma_start3A_347 : memref<1x384x768xf32, #tpu.memory_space<hbm>> -> memref<384x768xf32, #tpu.memory_space<hbm>>
      tpu.enqueue_dma source(%dma_start3A_348 : memref<384x768xf32, #tpu.memory_space<hbm>>) target(%dma_start3A_344 : memref<384x768xf32, #tpu.memory_space<vmem>>) target_semaphore(%dma_start3A_340 : memref<!tpu.dma_semaphore, #tpu.memory_space<semaphore_mem>>)
      %dma_start3A_349 = arith.constant 0 : i32
      %dma_start3A_350 = arith.constant 1 : i32
      %dma_start3A_351 = arith.constant 1 : i32
      %dma_start3A_352 = tpu.memref_slice %arg10[%dma_start3A_351] : memref<3x!tpu.dma_semaphore, #tpu.memory_space<semaphore_mem>> -> memref<1x!tpu.dma_semaphore, #tpu.memory_space<semaphore_mem>>
      %dma_start3A_353 = tpu.memref_squeeze %dma_start3A_352 : memref<1x!tpu.dma_semaphore, #tpu.memory_space<semaphore_mem>> -> memref<!tpu.dma_semaphore, #tpu.memory_space<semaphore_mem>>
      %dma_start3A_354 = arith.constant 0 : i32
      %dma_start3A_355 = arith.constant 0 : i32
      %dma_start3A_356 = tpu.memref_slice %arg8[%dma_start3A_350, %dma_start3A_354, %dma_start3A_355] : memref<3x768x1536xf32, #tpu.memory_space<vmem>> -> memref<1x192x1536xf32, #tpu.memory_space<vmem>>
      %dma_start3A_357 = tpu.memref_squeeze %dma_start3A_356 : memref<1x192x1536xf32, #tpu.memory_space<vmem>> -> memref<192x1536xf32, #tpu.memory_space<vmem>>
      %dma_start3A_358 = arith.constant 0 : i32
      %dma_start3A_359 = arith.constant 1536 : i32
      %dma_start3A_360 = tpu.memref_slice %arg5[%dma_start3A_349, %dma_start3A_358, %dma_start3A_359] : memref<64x768x3072xf32, #tpu.memory_space<hbm>> -> memref<1x192x1536xf32, #tpu.memory_space<hbm>>
      %dma_start3A_361 = tpu.memref_squeeze %dma_start3A_360 : memref<1x192x1536xf32, #tpu.memory_space<hbm>> -> memref<192x1536xf32, #tpu.memory_space<hbm>>
      tpu.enqueue_dma source(%dma_start3A_361 : memref<192x1536xf32, #tpu.memory_space<hbm>>) target(%dma_start3A_357 : memref<192x1536xf32, #tpu.memory_space<vmem>>) target_semaphore(%dma_start3A_353 : memref<!tpu.dma_semaphore, #tpu.memory_space<semaphore_mem>>)
      %dma_start3A_362 = arith.constant 0 : i32
      %dma_start3A_363 = arith.constant 1 : i32
      %dma_start3A_364 = arith.constant 1 : i32
      %dma_start3A_365 = tpu.memref_slice %arg10[%dma_start3A_364] : memref<3x!tpu.dma_semaphore, #tpu.memory_space<semaphore_mem>> -> memref<1x!tpu.dma_semaphore, #tpu.memory_space<semaphore_mem>>
      %dma_start3A_366 = tpu.memref_squeeze %dma_start3A_365 : memref<1x!tpu.dma_semaphore, #tpu.memory_space<semaphore_mem>> -> memref<!tpu.dma_semaphore, #tpu.memory_space<semaphore_mem>>
      %dma_start3A_367 = arith.constant 192 : i32
      %dma_start3A_368 = arith.constant 0 : i32
      %dma_start3A_369 = tpu.memref_slice %arg8[%dma_start3A_363, %dma_start3A_367, %dma_start3A_368] : memref<3x768x1536xf32, #tpu.memory_space<vmem>> -> memref<1x192x1536xf32, #tpu.memory_space<vmem>>
      %dma_start3A_370 = tpu.memref_squeeze %dma_start3A_369 : memref<1x192x1536xf32, #tpu.memory_space<vmem>> -> memref<192x1536xf32, #tpu.memory_space<vmem>>
      %dma_start3A_371 = arith.constant 192 : i32
      %dma_start3A_372 = arith.constant 1536 : i32
      %dma_start3A_373 = tpu.memref_slice %arg5[%dma_start3A_362, %dma_start3A_371, %dma_start3A_372] : memref<64x768x3072xf32, #tpu.memory_space<hbm>> -> memref<1x192x1536xf32, #tpu.memory_space<hbm>>
      %dma_start3A_374 = tpu.memref_squeeze %dma_start3A_373 : memref<1x192x1536xf32, #tpu.memory_space<hbm>> -> memref<192x1536xf32, #tpu.memory_space<hbm>>
      tpu.enqueue_dma source(%dma_start3A_374 : memref<192x1536xf32, #tpu.memory_space<hbm>>) target(%dma_start3A_370 : memref<192x1536xf32, #tpu.memory_space<vmem>>) target_semaphore(%dma_start3A_366 : memref<!tpu.dma_semaphore, #tpu.memory_space<semaphore_mem>>)
      %dma_start3A_375 = arith.constant 0 : i32
      %dma_start3A_376 = arith.constant 1 : i32
      %dma_start3A_377 = arith.constant 1 : i32
      %dma_start3A_378 = tpu.memref_slice %arg10[%dma_start3A_377] : memref<3x!tpu.dma_semaphore, #tpu.memory_space<semaphore_mem>> -> memref<1x!tpu.dma_semaphore, #tpu.memory_space<semaphore_mem>>
      %dma_start3A_379 = tpu.memref_squeeze %dma_start3A_378 : memref<1x!tpu.dma_semaphore, #tpu.memory_space<semaphore_mem>> -> memref<!tpu.dma_semaphore, #tpu.memory_space<semaphore_mem>>
      %dma_start3A_380 = arith.constant 384 : i32
      %dma_start3A_381 = arith.constant 0 : i32
      %dma_start3A_382 = tpu.memref_slice %arg8[%dma_start3A_376, %dma_start3A_380, %dma_start3A_381] : memref<3x768x1536xf32, #tpu.memory_space<vmem>> -> memref<1x192x1536xf32, #tpu.memory_space<vmem>>
      %dma_start3A_383 = tpu.memref_squeeze %dma_start3A_382 : memref<1x192x1536xf32, #tpu.memory_space<vmem>> -> memref<192x1536xf32, #tpu.memory_space<vmem>>
      %dma_start3A_384 = arith.constant 384 : i32
      %dma_start3A_385 = arith.constant 1536 : i32
      %dma_start3A_386 = tpu.memref_slice %arg5[%dma_start3A_375, %dma_start3A_384, %dma_start3A_385] : memref<64x768x3072xf32, #tpu.memory_space<hbm>> -> memref<1x192x1536xf32, #tpu.memory_space<hbm>>
      %dma_start3A_387 = tpu.memref_squeeze %dma_start3A_386 : memref<1x192x1536xf32, #tpu.memory_space<hbm>> -> memref<192x1536xf32, #tpu.memory_space<hbm>>
      tpu.enqueue_dma source(%dma_start3A_387 : memref<192x1536xf32, #tpu.memory_space<hbm>>) target(%dma_start3A_383 : memref<192x1536xf32, #tpu.memory_space<vmem>>) target_semaphore(%dma_start3A_379 : memref<!tpu.dma_semaphore, #tpu.memory_space<semaphore_mem>>)
      %dma_start3A_388 = arith.constant 0 : i32
      %dma_start3A_389 = arith.constant 1 : i32
      %dma_start3A_390 = arith.constant 1 : i32
      %dma_start3A_391 = tpu.memref_slice %arg10[%dma_start3A_390] : memref<3x!tpu.dma_semaphore, #tpu.memory_space<semaphore_mem>> -> memref<1x!tpu.dma_semaphore, #tpu.memory_space<semaphore_mem>>
      %dma_start3A_392 = tpu.memref_squeeze %dma_start3A_391 : memref<1x!tpu.dma_semaphore, #tpu.memory_space<semaphore_mem>> -> memref<!tpu.dma_semaphore, #tpu.memory_space<semaphore_mem>>
      %dma_start3A_393 = arith.constant 576 : i32
      %dma_start3A_394 = arith.constant 0 : i32
      %dma_start3A_395 = tpu.memref_slice %arg8[%dma_start3A_389, %dma_start3A_393, %dma_start3A_394] : memref<3x768x1536xf32, #tpu.memory_space<vmem>> -> memref<1x192x1536xf32, #tpu.memory_space<vmem>>
      %dma_start3A_396 = tpu.memref_squeeze %dma_start3A_395 : memref<1x192x1536xf32, #tpu.memory_space<vmem>> -> memref<192x1536xf32, #tpu.memory_space<vmem>>
      %dma_start3A_397 = arith.constant 576 : i32
      %dma_start3A_398 = arith.constant 1536 : i32
      %dma_start3A_399 = tpu.memref_slice %arg5[%dma_start3A_388, %dma_start3A_397, %dma_start3A_398] : memref<64x768x3072xf32, #tpu.memory_space<hbm>> -> memref<1x192x1536xf32, #tpu.memory_space<hbm>>
      %dma_start3A_400 = tpu.memref_squeeze %dma_start3A_399 : memref<1x192x1536xf32, #tpu.memory_space<hbm>> -> memref<192x1536xf32, #tpu.memory_space<hbm>>
      tpu.enqueue_dma source(%dma_start3A_400 : memref<192x1536xf32, #tpu.memory_space<hbm>>) target(%dma_start3A_396 : memref<192x1536xf32, #tpu.memory_space<vmem>>) target_semaphore(%dma_start3A_392 : memref<!tpu.dma_semaphore, #tpu.memory_space<semaphore_mem>>)
      %dma_start3A_401 = arith.constant 0 : i32
      %dma_start3A_402 = arith.constant 1 : i32
      %dma_start3A_403 = arith.constant 1 : i32
      %dma_start3A_404 = tpu.memref_slice %arg11[%dma_start3A_403] : memref<3x!tpu.dma_semaphore, #tpu.memory_space<semaphore_mem>> -> memref<1x!tpu.dma_semaphore, #tpu.memory_space<semaphore_mem>>
      %dma_start3A_405 = tpu.memref_squeeze %dma_start3A_404 : memref<1x!tpu.dma_semaphore, #tpu.memory_space<semaphore_mem>> -> memref<!tpu.dma_semaphore, #tpu.memory_space<semaphore_mem>>
      %dma_start3A_406 = arith.constant 0 : i32
      %dma_start3A_407 = arith.constant 0 : i32
      %dma_start3A_408 = tpu.memref_slice %arg9[%dma_start3A_402, %dma_start3A_406, %dma_start3A_407] : memref<3x1536x768xf32, #tpu.memory_space<vmem>> -> memref<1x384x768xf32, #tpu.memory_space<vmem>>
      %dma_start3A_409 = tpu.memref_squeeze %dma_start3A_408 : memref<1x384x768xf32, #tpu.memory_space<vmem>> -> memref<384x768xf32, #tpu.memory_space<vmem>>
      %dma_start3A_410 = arith.constant 1536 : i32
      %dma_start3A_411 = arith.constant 0 : i32
      %dma_start3A_412 = tpu.memref_slice %arg6[%dma_start3A_401, %dma_start3A_410, %dma_start3A_411] : memref<64x3072x768xf32, #tpu.memory_space<hbm>> -> memref<1x384x768xf32, #tpu.memory_space<hbm>>
      %dma_start3A_413 = tpu.memref_squeeze %dma_start3A_412 : memref<1x384x768xf32, #tpu.memory_space<hbm>> -> memref<384x768xf32, #tpu.memory_space<hbm>>
      tpu.enqueue_dma source(%dma_start3A_413 : memref<384x768xf32, #tpu.memory_space<hbm>>) target(%dma_start3A_409 : memref<384x768xf32, #tpu.memory_space<vmem>>) target_semaphore(%dma_start3A_405 : memref<!tpu.dma_semaphore, #tpu.memory_space<semaphore_mem>>)
      %dma_start3A_414 = arith.constant 0 : i32
      %dma_start3A_415 = arith.constant 1 : i32
      %dma_start3A_416 = arith.constant 1 : i32
      %dma_start3A_417 = tpu.memref_slice %arg11[%dma_start3A_416] : memref<3x!tpu.dma_semaphore, #tpu.memory_space<semaphore_mem>> -> memref<1x!tpu.dma_semaphore, #tpu.memory_space<semaphore_mem>>
      %dma_start3A_418 = tpu.memref_squeeze %dma_start3A_417 : memref<1x!tpu.dma_semaphore, #tpu.memory_space<semaphore_mem>> -> memref<!tpu.dma_semaphore, #tpu.memory_space<semaphore_mem>>
      %dma_start3A_419 = arith.constant 384 : i32
      %dma_start3A_420 = arith.constant 0 : i32
      %dma_start3A_421 = tpu.memref_slice %arg9[%dma_start3A_415, %dma_start3A_419, %dma_start3A_420] : memref<3x1536x768xf32, #tpu.memory_space<vmem>> -> memref<1x384x768xf32, #tpu.memory_space<vmem>>
      %dma_start3A_422 = tpu.memref_squeeze %dma_start3A_421 : memref<1x384x768xf32, #tpu.memory_space<vmem>> -> memref<384x768xf32, #tpu.memory_space<vmem>>
      %dma_start3A_423 = arith.constant 1920 : i32
      %dma_start3A_424 = arith.constant 0 : i32
      %dma_start3A_425 = tpu.memref_slice %arg6[%dma_start3A_414, %dma_start3A_423, %dma_start3A_424] : memref<64x3072x768xf32, #tpu.memory_space<hbm>> -> memref<1x384x768xf32, #tpu.memory_space<hbm>>
      %dma_start3A_426 = tpu.memref_squeeze %dma_start3A_425 : memref<1x384x768xf32, #tpu.memory_space<hbm>> -> memref<384x768xf32, #tpu.memory_space<hbm>>
      tpu.enqueue_dma source(%dma_start3A_426 : memref<384x768xf32, #tpu.memory_space<hbm>>) target(%dma_start3A_422 : memref<384x768xf32, #tpu.memory_space<vmem>>) target_semaphore(%dma_start3A_418 : memref<!tpu.dma_semaphore, #tpu.memory_space<semaphore_mem>>)
      %dma_start3A_427 = arith.constant 0 : i32
      %dma_start3A_428 = arith.constant 1 : i32
      %dma_start3A_429 = arith.constant 1 : i32
      %dma_start3A_430 = tpu.memref_slice %arg11[%dma_start3A_429] : memref<3x!tpu.dma_semaphore, #tpu.memory_space<semaphore_mem>> -> memref<1x!tpu.dma_semaphore, #tpu.memory_space<semaphore_mem>>
      %dma_start3A_431 = tpu.memref_squeeze %dma_start3A_430 : memref<1x!tpu.dma_semaphore, #tpu.memory_space<semaphore_mem>> -> memref<!tpu.dma_semaphore, #tpu.memory_space<semaphore_mem>>
      %dma_start3A_432 = arith.constant 768 : i32
      %dma_start3A_433 = arith.constant 0 : i32
      %dma_start3A_434 = tpu.memref_slice %arg9[%dma_start3A_428, %dma_start3A_432, %dma_start3A_433] : memref<3x1536x768xf32, #tpu.memory_space<vmem>> -> memref<1x384x768xf32, #tpu.memory_space<vmem>>
      %dma_start3A_435 = tpu.memref_squeeze %dma_start3A_434 : memref<1x384x768xf32, #tpu.memory_space<vmem>> -> memref<384x768xf32, #tpu.memory_space<vmem>>
      %dma_start3A_436 = arith.constant 2304 : i32
      %dma_start3A_437 = arith.constant 0 : i32
      %dma_start3A_438 = tpu.memref_slice %arg6[%dma_start3A_427, %dma_start3A_436, %dma_start3A_437] : memref<64x3072x768xf32, #tpu.memory_space<hbm>> -> memref<1x384x768xf32, #tpu.memory_space<hbm>>
      %dma_start3A_439 = tpu.memref_squeeze %dma_start3A_438 : memref<1x384x768xf32, #tpu.memory_space<hbm>> -> memref<384x768xf32, #tpu.memory_space<hbm>>
      tpu.enqueue_dma source(%dma_start3A_439 : memref<384x768xf32, #tpu.memory_space<hbm>>) target(%dma_start3A_435 : memref<384x768xf32, #tpu.memory_space<vmem>>) target_semaphore(%dma_start3A_431 : memref<!tpu.dma_semaphore, #tpu.memory_space<semaphore_mem>>)
      %dma_start3A_440 = arith.constant 0 : i32
      %dma_start3A_441 = arith.constant 1 : i32
      %dma_start3A_442 = arith.constant 1 : i32
      %dma_start3A_443 = tpu.memref_slice %arg11[%dma_start3A_442] : memref<3x!tpu.dma_semaphore, #tpu.memory_space<semaphore_mem>> -> memref<1x!tpu.dma_semaphore, #tpu.memory_space<semaphore_mem>>
      %dma_start3A_444 = tpu.memref_squeeze %dma_start3A_443 : memref<1x!tpu.dma_semaphore, #tpu.memory_space<semaphore_mem>> -> memref<!tpu.dma_semaphore, #tpu.memory_space<semaphore_mem>>
      %dma_start3A_445 = arith.constant 1152 : i32
      %dma_start3A_446 = arith.constant 0 : i32
      %dma_start3A_447 = tpu.memref_slice %arg9[%dma_start3A_441, %dma_start3A_445, %dma_start3A_446] : memref<3x1536x768xf32, #tpu.memory_space<vmem>> -> memref<1x384x768xf32, #tpu.memory_space<vmem>>
      %dma_start3A_448 = tpu.memref_squeeze %dma_start3A_447 : memref<1x384x768xf32, #tpu.memory_space<vmem>> -> memref<384x768xf32, #tpu.memory_space<vmem>>
      %dma_start3A_449 = arith.constant 2688 : i32
      %dma_start3A_450 = arith.constant 0 : i32
      %dma_start3A_451 = tpu.memref_slice %arg6[%dma_start3A_440, %dma_start3A_449, %dma_start3A_450] : memref<64x3072x768xf32, #tpu.memory_space<hbm>> -> memref<1x384x768xf32, #tpu.memory_space<hbm>>
      %dma_start3A_452 = tpu.memref_squeeze %dma_start3A_451 : memref<1x384x768xf32, #tpu.memory_space<hbm>> -> memref<384x768xf32, #tpu.memory_space<hbm>>
      tpu.enqueue_dma source(%dma_start3A_452 : memref<384x768xf32, #tpu.memory_space<hbm>>) target(%dma_start3A_448 : memref<384x768xf32, #tpu.memory_space<vmem>>) target_semaphore(%dma_start3A_444 : memref<!tpu.dma_semaphore, #tpu.memory_space<semaphore_mem>>)
    } else {
    }
    %add3A_6 = arith.constant 2 : i32
    %add3A_7 = arith.addi %add3A, %add3A_6 : i32
    %lt3A = arith.constant 128 : i32
    %lt3A_8 = arith.cmpi slt, %add3A_7, %lt3A : i32
    %convert_element_type3A_9 = arith.extui %lt3A_8 : i1 to i32
    %cond3A_10 = arith.constant 0 : i32
    %cond3A_11 = arith.cmpi ne, %convert_element_type3A_9, %cond3A_10 : i32
    scf.if %cond3A_11 {
      %add3A_246 = arith.constant 2 : i32
      %add3A_247 = arith.addi %add3A, %add3A_246 : i32
      %jit3A_248 = arith.constant 2 : i32
      %div3A_249 = arith.divsi %add3A_247, %jit3A_248 : i32
      %sign3A_250 = arith.constant 0 : i32
      %sign3A_251 = arith.cmpi sgt, %add3A_247, %sign3A_250 : i32
      %sign3A_252 = arith.extui %sign3A_251 : i1 to i32
      %sign3A_253 = arith.constant 0 : i32
      %sign3A_254 = arith.cmpi slt, %add3A_247, %sign3A_253 : i32
      %sign3A_255 = arith.extui %sign3A_254 : i1 to i32
      %sign3A_256 = arith.subi %sign3A_252, %sign3A_255 : i32
      %sign3A_257 = arith.constant 0 : i32
      %sign3A_258 = arith.cmpi sgt, %jit3A_248, %sign3A_257 : i32
      %sign3A_259 = arith.extui %sign3A_258 : i1 to i32
      %sign3A_260 = arith.constant 0 : i32
      %sign3A_261 = arith.cmpi slt, %jit3A_248, %sign3A_260 : i32
      %sign3A_262 = arith.extui %sign3A_261 : i1 to i32
      %sign3A_263 = arith.subi %sign3A_259, %sign3A_262 : i32
      %ne3A_264 = arith.cmpi ne, %sign3A_256, %sign3A_263 : i32
      %rem3A_265 = arith.remsi %add3A_247, %jit3A_248 : i32
      %ne3A_266 = arith.constant 0 : i32
      %ne3A_267 = arith.cmpi ne, %rem3A_265, %ne3A_266 : i32
      %and3A_268 = arith.andi %ne3A_264, %ne3A_267 : i1
      %sub3A_269 = arith.constant 1 : i32
      %sub3A_270 = arith.subi %div3A_249, %sub3A_269 : i32
      %select_n3A_271 = arith.select %and3A_268, %sub3A_270, %div3A_249 : i32
      %jit3A_272 = arith.constant 2 : i32
      %eq3A_273 = arith.constant 0 : i32
      %eq3A_274 = arith.cmpi eq, %jit3A_272, %eq3A_273 : i32
      %jit3A_275 = arith.constant 1 : i32
      %select_n3A_276 = arith.select %eq3A_274, %jit3A_275, %jit3A_272 : i32
      %rem3A_277 = arith.remsi %add3A_247, %select_n3A_276 : i32
      %ne3A_278 = arith.constant 0 : i32
      %ne3A_279 = arith.cmpi ne, %rem3A_277, %ne3A_278 : i32
      %lt3A_280 = arith.constant 0 : i32
      %lt3A_281 = arith.cmpi slt, %rem3A_277, %lt3A_280 : i32
      %lt3A_282 = arith.constant 0 : i32
      %lt3A_283 = arith.cmpi slt, %select_n3A_276, %lt3A_282 : i32
      %ne3A_284 = arith.xori %lt3A_281, %lt3A_283 : i1
      %and3A_285 = arith.andi %ne3A_284, %ne3A_279 : i1
      %add3A_286 = arith.addi %rem3A_277, %select_n3A_276 : i32
      %select_n3A_287 = arith.select %and3A_285, %add3A_286, %rem3A_277 : i32
      %jit3A_288 = arith.constant 3 : i32
      %eq3A_289 = arith.constant 0 : i32
      %eq3A_290 = arith.cmpi eq, %jit3A_288, %eq3A_289 : i32
      %jit3A_291 = arith.constant 1 : i32
      %select_n3A_292 = arith.select %eq3A_290, %jit3A_291, %jit3A_288 : i32
      %rem3A_293 = arith.remsi %add3A_247, %select_n3A_292 : i32
      %ne3A_294 = arith.constant 0 : i32
      %ne3A_295 = arith.cmpi ne, %rem3A_293, %ne3A_294 : i32
      %lt3A_296 = arith.constant 0 : i32
      %lt3A_297 = arith.cmpi slt, %rem3A_293, %lt3A_296 : i32
      %lt3A_298 = arith.constant 0 : i32
      %lt3A_299 = arith.cmpi slt, %select_n3A_292, %lt3A_298 : i32
      %ne3A_300 = arith.xori %lt3A_297, %lt3A_299 : i1
      %and3A_301 = arith.andi %ne3A_300, %ne3A_295 : i1
      %add3A_302 = arith.addi %rem3A_293, %select_n3A_292 : i32
      %select_n3A_303 = arith.select %and3A_301, %add3A_302, %rem3A_293 : i32
      %mul3A_304 = arith.constant 1536 : i32
      %mul3A_305 = arith.muli %select_n3A_287, %mul3A_304 : i32
      %mul3A_306 = arith.constant 1536 : i32
      %mul3A_307 = arith.muli %select_n3A_287, %mul3A_306 : i32
      %mul3A_308 = arith.constant 1536 : i32
      %mul3A_309 = arith.muli %select_n3A_287, %mul3A_308 : i32
      %mul3A_310 = arith.constant 1536 : i32
      %mul3A_311 = arith.muli %select_n3A_287, %mul3A_310 : i32
      %dma_start3A = tpu.memref_slice %arg10[%select_n3A_303] : memref<3x!tpu.dma_semaphore, #tpu.memory_space<semaphore_mem>> -> memref<1x!tpu.dma_semaphore, #tpu.memory_space<semaphore_mem>>
      %dma_start3A_312 = tpu.memref_squeeze %dma_start3A : memref<1x!tpu.dma_semaphore, #tpu.memory_space<semaphore_mem>> -> memref<!tpu.dma_semaphore, #tpu.memory_space<semaphore_mem>>
      %dma_start3A_313 = arith.constant 0 : i32
      %dma_start3A_314 = arith.constant 0 : i32
      %dma_start3A_315 = tpu.memref_slice %arg8[%select_n3A_303, %dma_start3A_313, %dma_start3A_314] : memref<3x768x1536xf32, #tpu.memory_space<vmem>> -> memref<1x192x1536xf32, #tpu.memory_space<vmem>>
      %dma_start3A_316 = tpu.memref_squeeze %dma_start3A_315 : memref<1x192x1536xf32, #tpu.memory_space<vmem>> -> memref<192x1536xf32, #tpu.memory_space<vmem>>
      %dma_start3A_317 = arith.constant 0 : i32
      %dma_start3A_318 = tpu.memref_slice %arg5[%select_n3A_271, %dma_start3A_317, %mul3A_305] : memref<64x768x3072xf32, #tpu.memory_space<hbm>> -> memref<1x192x1536xf32, #tpu.memory_space<hbm>>
      %dma_start3A_319 = tpu.memref_squeeze %dma_start3A_318 : memref<1x192x1536xf32, #tpu.memory_space<hbm>> -> memref<192x1536xf32, #tpu.memory_space<hbm>>
      tpu.enqueue_dma source(%dma_start3A_319 : memref<192x1536xf32, #tpu.memory_space<hbm>>) target(%dma_start3A_316 : memref<192x1536xf32, #tpu.memory_space<vmem>>) target_semaphore(%dma_start3A_312 : memref<!tpu.dma_semaphore, #tpu.memory_space<semaphore_mem>>)
      %dma_start3A_320 = tpu.memref_slice %arg10[%select_n3A_303] : memref<3x!tpu.dma_semaphore, #tpu.memory_space<semaphore_mem>> -> memref<1x!tpu.dma_semaphore, #tpu.memory_space<semaphore_mem>>
      %dma_start3A_321 = tpu.memref_squeeze %dma_start3A_320 : memref<1x!tpu.dma_semaphore, #tpu.memory_space<semaphore_mem>> -> memref<!tpu.dma_semaphore, #tpu.memory_space<semaphore_mem>>
      %dma_start3A_322 = arith.constant 192 : i32
      %dma_start3A_323 = arith.constant 0 : i32
      %dma_start3A_324 = tpu.memref_slice %arg8[%select_n3A_303, %dma_start3A_322, %dma_start3A_323] : memref<3x768x1536xf32, #tpu.memory_space<vmem>> -> memref<1x192x1536xf32, #tpu.memory_space<vmem>>
      %dma_start3A_325 = tpu.memref_squeeze %dma_start3A_324 : memref<1x192x1536xf32, #tpu.memory_space<vmem>> -> memref<192x1536xf32, #tpu.memory_space<vmem>>
      %dma_start3A_326 = arith.constant 192 : i32
      %dma_start3A_327 = tpu.memref_slice %arg5[%select_n3A_271, %dma_start3A_326, %mul3A_307] : memref<64x768x3072xf32, #tpu.memory_space<hbm>> -> memref<1x192x1536xf32, #tpu.memory_space<hbm>>
      %dma_start3A_328 = tpu.memref_squeeze %dma_start3A_327 : memref<1x192x1536xf32, #tpu.memory_space<hbm>> -> memref<192x1536xf32, #tpu.memory_space<hbm>>
      tpu.enqueue_dma source(%dma_start3A_328 : memref<192x1536xf32, #tpu.memory_space<hbm>>) target(%dma_start3A_325 : memref<192x1536xf32, #tpu.memory_space<vmem>>) target_semaphore(%dma_start3A_321 : memref<!tpu.dma_semaphore, #tpu.memory_space<semaphore_mem>>)
      %dma_start3A_329 = tpu.memref_slice %arg10[%select_n3A_303] : memref<3x!tpu.dma_semaphore, #tpu.memory_space<semaphore_mem>> -> memref<1x!tpu.dma_semaphore, #tpu.memory_space<semaphore_mem>>
      %dma_start3A_330 = tpu.memref_squeeze %dma_start3A_329 : memref<1x!tpu.dma_semaphore, #tpu.memory_space<semaphore_mem>> -> memref<!tpu.dma_semaphore, #tpu.memory_space<semaphore_mem>>
      %dma_start3A_331 = arith.constant 384 : i32
      %dma_start3A_332 = arith.constant 0 : i32
      %dma_start3A_333 = tpu.memref_slice %arg8[%select_n3A_303, %dma_start3A_331, %dma_start3A_332] : memref<3x768x1536xf32, #tpu.memory_space<vmem>> -> memref<1x192x1536xf32, #tpu.memory_space<vmem>>
      %dma_start3A_334 = tpu.memref_squeeze %dma_start3A_333 : memref<1x192x1536xf32, #tpu.memory_space<vmem>> -> memref<192x1536xf32, #tpu.memory_space<vmem>>
      %dma_start3A_335 = arith.constant 384 : i32
      %dma_start3A_336 = tpu.memref_slice %arg5[%select_n3A_271, %dma_start3A_335, %mul3A_309] : memref<64x768x3072xf32, #tpu.memory_space<hbm>> -> memref<1x192x1536xf32, #tpu.memory_space<hbm>>
      %dma_start3A_337 = tpu.memref_squeeze %dma_start3A_336 : memref<1x192x1536xf32, #tpu.memory_space<hbm>> -> memref<192x1536xf32, #tpu.memory_space<hbm>>
      tpu.enqueue_dma source(%dma_start3A_337 : memref<192x1536xf32, #tpu.memory_space<hbm>>) target(%dma_start3A_334 : memref<192x1536xf32, #tpu.memory_space<vmem>>) target_semaphore(%dma_start3A_330 : memref<!tpu.dma_semaphore, #tpu.memory_space<semaphore_mem>>)
      %dma_start3A_338 = tpu.memref_slice %arg10[%select_n3A_303] : memref<3x!tpu.dma_semaphore, #tpu.memory_space<semaphore_mem>> -> memref<1x!tpu.dma_semaphore, #tpu.memory_space<semaphore_mem>>
      %dma_start3A_339 = tpu.memref_squeeze %dma_start3A_338 : memref<1x!tpu.dma_semaphore, #tpu.memory_space<semaphore_mem>> -> memref<!tpu.dma_semaphore, #tpu.memory_space<semaphore_mem>>
      %dma_start3A_340 = arith.constant 576 : i32
      %dma_start3A_341 = arith.constant 0 : i32
      %dma_start3A_342 = tpu.memref_slice %arg8[%select_n3A_303, %dma_start3A_340, %dma_start3A_341] : memref<3x768x1536xf32, #tpu.memory_space<vmem>> -> memref<1x192x1536xf32, #tpu.memory_space<vmem>>
      %dma_start3A_343 = tpu.memref_squeeze %dma_start3A_342 : memref<1x192x1536xf32, #tpu.memory_space<vmem>> -> memref<192x1536xf32, #tpu.memory_space<vmem>>
      %dma_start3A_344 = arith.constant 576 : i32
      %dma_start3A_345 = tpu.memref_slice %arg5[%select_n3A_271, %dma_start3A_344, %mul3A_311] : memref<64x768x3072xf32, #tpu.memory_space<hbm>> -> memref<1x192x1536xf32, #tpu.memory_space<hbm>>
      %dma_start3A_346 = tpu.memref_squeeze %dma_start3A_345 : memref<1x192x1536xf32, #tpu.memory_space<hbm>> -> memref<192x1536xf32, #tpu.memory_space<hbm>>
      tpu.enqueue_dma source(%dma_start3A_346 : memref<192x1536xf32, #tpu.memory_space<hbm>>) target(%dma_start3A_343 : memref<192x1536xf32, #tpu.memory_space<vmem>>) target_semaphore(%dma_start3A_339 : memref<!tpu.dma_semaphore, #tpu.memory_space<semaphore_mem>>)
      %jit3A_347 = arith.constant 2 : i32
      %div3A_348 = arith.divsi %add3A_247, %jit3A_347 : i32
      %sign3A_349 = arith.constant 0 : i32
      %sign3A_350 = arith.cmpi sgt, %add3A_247, %sign3A_349 : i32
      %sign3A_351 = arith.extui %sign3A_350 : i1 to i32
      %sign3A_352 = arith.constant 0 : i32
      %sign3A_353 = arith.cmpi slt, %add3A_247, %sign3A_352 : i32
      %sign3A_354 = arith.extui %sign3A_353 : i1 to i32
      %sign3A_355 = arith.subi %sign3A_351, %sign3A_354 : i32
      %sign3A_356 = arith.constant 0 : i32
      %sign3A_357 = arith.cmpi sgt, %jit3A_347, %sign3A_356 : i32
      %sign3A_358 = arith.extui %sign3A_357 : i1 to i32
      %sign3A_359 = arith.constant 0 : i32
      %sign3A_360 = arith.cmpi slt, %jit3A_347, %sign3A_359 : i32
      %sign3A_361 = arith.extui %sign3A_360 : i1 to i32
      %sign3A_362 = arith.subi %sign3A_358, %sign3A_361 : i32
      %ne3A_363 = arith.cmpi ne, %sign3A_355, %sign3A_362 : i32
      %rem3A_364 = arith.remsi %add3A_247, %jit3A_347 : i32
      %ne3A_365 = arith.constant 0 : i32
      %ne3A_366 = arith.cmpi ne, %rem3A_364, %ne3A_365 : i32
      %and3A_367 = arith.andi %ne3A_363, %ne3A_366 : i1
      %sub3A_368 = arith.constant 1 : i32
      %sub3A_369 = arith.subi %div3A_348, %sub3A_368 : i32
      %select_n3A_370 = arith.select %and3A_367, %sub3A_369, %div3A_348 : i32
      %jit3A_371 = arith.constant 2 : i32
      %eq3A_372 = arith.constant 0 : i32
      %eq3A_373 = arith.cmpi eq, %jit3A_371, %eq3A_372 : i32
      %jit3A_374 = arith.constant 1 : i32
      %select_n3A_375 = arith.select %eq3A_373, %jit3A_374, %jit3A_371 : i32
      %rem3A_376 = arith.remsi %add3A_247, %select_n3A_375 : i32
      %ne3A_377 = arith.constant 0 : i32
      %ne3A_378 = arith.cmpi ne, %rem3A_376, %ne3A_377 : i32
      %lt3A_379 = arith.constant 0 : i32
      %lt3A_380 = arith.cmpi slt, %rem3A_376, %lt3A_379 : i32
      %lt3A_381 = arith.constant 0 : i32
      %lt3A_382 = arith.cmpi slt, %select_n3A_375, %lt3A_381 : i32
      %ne3A_383 = arith.xori %lt3A_380, %lt3A_382 : i1
      %and3A_384 = arith.andi %ne3A_383, %ne3A_378 : i1
      %add3A_385 = arith.addi %rem3A_376, %select_n3A_375 : i32
      %select_n3A_386 = arith.select %and3A_384, %add3A_385, %rem3A_376 : i32
      %jit3A_387 = arith.constant 3 : i32
      %eq3A_388 = arith.constant 0 : i32
      %eq3A_389 = arith.cmpi eq, %jit3A_387, %eq3A_388 : i32
      %jit3A_390 = arith.constant 1 : i32
      %select_n3A_391 = arith.select %eq3A_389, %jit3A_390, %jit3A_387 : i32
      %rem3A_392 = arith.remsi %add3A_247, %select_n3A_391 : i32
      %ne3A_393 = arith.constant 0 : i32
      %ne3A_394 = arith.cmpi ne, %rem3A_392, %ne3A_393 : i32
      %lt3A_395 = arith.constant 0 : i32
      %lt3A_396 = arith.cmpi slt, %rem3A_392, %lt3A_395 : i32
      %lt3A_397 = arith.constant 0 : i32
      %lt3A_398 = arith.cmpi slt, %select_n3A_391, %lt3A_397 : i32
      %ne3A_399 = arith.xori %lt3A_396, %lt3A_398 : i1
      %and3A_400 = arith.andi %ne3A_399, %ne3A_394 : i1
      %add3A_401 = arith.addi %rem3A_392, %select_n3A_391 : i32
      %select_n3A_402 = arith.select %and3A_400, %add3A_401, %rem3A_392 : i32
      %mul3A_403 = arith.constant 1536 : i32
      %mul3A_404 = arith.muli %select_n3A_386, %mul3A_403 : i32
      %add3A_405 = arith.constant 0 : i32
      %add3A_406 = arith.addi %mul3A_404, %add3A_405 : i32
      %mul3A_407 = arith.constant 1536 : i32
      %mul3A_408 = arith.muli %select_n3A_386, %mul3A_407 : i32
      %add3A_409 = arith.constant 384 : i32
      %add3A_410 = arith.addi %mul3A_408, %add3A_409 : i32
      %mul3A_411 = arith.constant 1536 : i32
      %mul3A_412 = arith.muli %select_n3A_386, %mul3A_411 : i32
      %add3A_413 = arith.constant 768 : i32
      %add3A_414 = arith.addi %mul3A_412, %add3A_413 : i32
      %mul3A_415 = arith.constant 1536 : i32
      %mul3A_416 = arith.muli %select_n3A_386, %mul3A_415 : i32
      %add3A_417 = arith.constant 1152 : i32
      %add3A_418 = arith.addi %mul3A_416, %add3A_417 : i32
      %dma_start3A_419 = tpu.memref_slice %arg11[%select_n3A_402] : memref<3x!tpu.dma_semaphore, #tpu.memory_space<semaphore_mem>> -> memref<1x!tpu.dma_semaphore, #tpu.memory_space<semaphore_mem>>
      %dma_start3A_420 = tpu.memref_squeeze %dma_start3A_419 : memref<1x!tpu.dma_semaphore, #tpu.memory_space<semaphore_mem>> -> memref<!tpu.dma_semaphore, #tpu.memory_space<semaphore_mem>>
      %dma_start3A_421 = arith.constant 0 : i32
      %dma_start3A_422 = arith.constant 0 : i32
      %dma_start3A_423 = tpu.memref_slice %arg9[%select_n3A_402, %dma_start3A_421, %dma_start3A_422] : memref<3x1536x768xf32, #tpu.memory_space<vmem>> -> memref<1x384x768xf32, #tpu.memory_space<vmem>>
      %dma_start3A_424 = tpu.memref_squeeze %dma_start3A_423 : memref<1x384x768xf32, #tpu.memory_space<vmem>> -> memref<384x768xf32, #tpu.memory_space<vmem>>
      %dma_start3A_425 = arith.constant 0 : i32
      %dma_start3A_426 = tpu.memref_slice %arg6[%select_n3A_370, %add3A_406, %dma_start3A_425] : memref<64x3072x768xf32, #tpu.memory_space<hbm>> -> memref<1x384x768xf32, #tpu.memory_space<hbm>>
      %dma_start3A_427 = tpu.memref_squeeze %dma_start3A_426 : memref<1x384x768xf32, #tpu.memory_space<hbm>> -> memref<384x768xf32, #tpu.memory_space<hbm>>
      tpu.enqueue_dma source(%dma_start3A_427 : memref<384x768xf32, #tpu.memory_space<hbm>>) target(%dma_start3A_424 : memref<384x768xf32, #tpu.memory_space<vmem>>) target_semaphore(%dma_start3A_420 : memref<!tpu.dma_semaphore, #tpu.memory_space<semaphore_mem>>)
      %dma_start3A_428 = tpu.memref_slice %arg11[%select_n3A_402] : memref<3x!tpu.dma_semaphore, #tpu.memory_space<semaphore_mem>> -> memref<1x!tpu.dma_semaphore, #tpu.memory_space<semaphore_mem>>
      %dma_start3A_429 = tpu.memref_squeeze %dma_start3A_428 : memref<1x!tpu.dma_semaphore, #tpu.memory_space<semaphore_mem>> -> memref<!tpu.dma_semaphore, #tpu.memory_space<semaphore_mem>>
      %dma_start3A_430 = arith.constant 384 : i32
      %dma_start3A_431 = arith.constant 0 : i32
      %dma_start3A_432 = tpu.memref_slice %arg9[%select_n3A_402, %dma_start3A_430, %dma_start3A_431] : memref<3x1536x768xf32, #tpu.memory_space<vmem>> -> memref<1x384x768xf32, #tpu.memory_space<vmem>>
      %dma_start3A_433 = tpu.memref_squeeze %dma_start3A_432 : memref<1x384x768xf32, #tpu.memory_space<vmem>> -> memref<384x768xf32, #tpu.memory_space<vmem>>
      %dma_start3A_434 = arith.constant 0 : i32
      %dma_start3A_435 = tpu.memref_slice %arg6[%select_n3A_370, %add3A_410, %dma_start3A_434] : memref<64x3072x768xf32, #tpu.memory_space<hbm>> -> memref<1x384x768xf32, #tpu.memory_space<hbm>>
      %dma_start3A_436 = tpu.memref_squeeze %dma_start3A_435 : memref<1x384x768xf32, #tpu.memory_space<hbm>> -> memref<384x768xf32, #tpu.memory_space<hbm>>
      tpu.enqueue_dma source(%dma_start3A_436 : memref<384x768xf32, #tpu.memory_space<hbm>>) target(%dma_start3A_433 : memref<384x768xf32, #tpu.memory_space<vmem>>) target_semaphore(%dma_start3A_429 : memref<!tpu.dma_semaphore, #tpu.memory_space<semaphore_mem>>)
      %dma_start3A_437 = tpu.memref_slice %arg11[%select_n3A_402] : memref<3x!tpu.dma_semaphore, #tpu.memory_space<semaphore_mem>> -> memref<1x!tpu.dma_semaphore, #tpu.memory_space<semaphore_mem>>
      %dma_start3A_438 = tpu.memref_squeeze %dma_start3A_437 : memref<1x!tpu.dma_semaphore, #tpu.memory_space<semaphore_mem>> -> memref<!tpu.dma_semaphore, #tpu.memory_space<semaphore_mem>>
      %dma_start3A_439 = arith.constant 768 : i32
      %dma_start3A_440 = arith.constant 0 : i32
      %dma_start3A_441 = tpu.memref_slice %arg9[%select_n3A_402, %dma_start3A_439, %dma_start3A_440] : memref<3x1536x768xf32, #tpu.memory_space<vmem>> -> memref<1x384x768xf32, #tpu.memory_space<vmem>>
      %dma_start3A_442 = tpu.memref_squeeze %dma_start3A_441 : memref<1x384x768xf32, #tpu.memory_space<vmem>> -> memref<384x768xf32, #tpu.memory_space<vmem>>
      %dma_start3A_443 = arith.constant 0 : i32
      %dma_start3A_444 = tpu.memref_slice %arg6[%select_n3A_370, %add3A_414, %dma_start3A_443] : memref<64x3072x768xf32, #tpu.memory_space<hbm>> -> memref<1x384x768xf32, #tpu.memory_space<hbm>>
      %dma_start3A_445 = tpu.memref_squeeze %dma_start3A_444 : memref<1x384x768xf32, #tpu.memory_space<hbm>> -> memref<384x768xf32, #tpu.memory_space<hbm>>
      tpu.enqueue_dma source(%dma_start3A_445 : memref<384x768xf32, #tpu.memory_space<hbm>>) target(%dma_start3A_442 : memref<384x768xf32, #tpu.memory_space<vmem>>) target_semaphore(%dma_start3A_438 : memref<!tpu.dma_semaphore, #tpu.memory_space<semaphore_mem>>)
      %dma_start3A_446 = tpu.memref_slice %arg11[%select_n3A_402] : memref<3x!tpu.dma_semaphore, #tpu.memory_space<semaphore_mem>> -> memref<1x!tpu.dma_semaphore, #tpu.memory_space<semaphore_mem>>
      %dma_start3A_447 = tpu.memref_squeeze %dma_start3A_446 : memref<1x!tpu.dma_semaphore, #tpu.memory_space<semaphore_mem>> -> memref<!tpu.dma_semaphore, #tpu.memory_space<semaphore_mem>>
      %dma_start3A_448 = arith.constant 1152 : i32
      %dma_start3A_449 = arith.constant 0 : i32
      %dma_start3A_450 = tpu.memref_slice %arg9[%select_n3A_402, %dma_start3A_448, %dma_start3A_449] : memref<3x1536x768xf32, #tpu.memory_space<vmem>> -> memref<1x384x768xf32, #tpu.memory_space<vmem>>
      %dma_start3A_451 = tpu.memref_squeeze %dma_start3A_450 : memref<1x384x768xf32, #tpu.memory_space<vmem>> -> memref<384x768xf32, #tpu.memory_space<vmem>>
      %dma_start3A_452 = arith.constant 0 : i32
      %dma_start3A_453 = tpu.memref_slice %arg6[%select_n3A_370, %add3A_418, %dma_start3A_452] : memref<64x3072x768xf32, #tpu.memory_space<hbm>> -> memref<1x384x768xf32, #tpu.memory_space<hbm>>
      %dma_start3A_454 = tpu.memref_squeeze %dma_start3A_453 : memref<1x384x768xf32, #tpu.memory_space<hbm>> -> memref<384x768xf32, #tpu.memory_space<hbm>>
      tpu.enqueue_dma source(%dma_start3A_454 : memref<384x768xf32, #tpu.memory_space<hbm>>) target(%dma_start3A_451 : memref<384x768xf32, #tpu.memory_space<vmem>>) target_semaphore(%dma_start3A_447 : memref<!tpu.dma_semaphore, #tpu.memory_space<semaphore_mem>>)
    } else {
    }
    %jit3A = arith.constant 2 : i32
    %div3A = arith.divsi %add3A, %jit3A : i32
    %sign3A = arith.constant 0 : i32
    %sign3A_12 = arith.cmpi sgt, %add3A, %sign3A : i32
    %sign3A_13 = arith.extui %sign3A_12 : i1 to i32
    %sign3A_14 = arith.constant 0 : i32
    %sign3A_15 = arith.cmpi slt, %add3A, %sign3A_14 : i32
    %sign3A_16 = arith.extui %sign3A_15 : i1 to i32
    %sign3A_17 = arith.subi %sign3A_13, %sign3A_16 : i32
    %sign3A_18 = arith.constant 0 : i32
    %sign3A_19 = arith.cmpi sgt, %jit3A, %sign3A_18 : i32
    %sign3A_20 = arith.extui %sign3A_19 : i1 to i32
    %sign3A_21 = arith.constant 0 : i32
    %sign3A_22 = arith.cmpi slt, %jit3A, %sign3A_21 : i32
    %sign3A_23 = arith.extui %sign3A_22 : i1 to i32
    %sign3A_24 = arith.subi %sign3A_20, %sign3A_23 : i32
    %ne3A = arith.cmpi ne, %sign3A_17, %sign3A_24 : i32
    %rem3A = arith.remsi %add3A, %jit3A : i32
    %ne3A_25 = arith.constant 0 : i32
    %ne3A_26 = arith.cmpi ne, %rem3A, %ne3A_25 : i32
    %and3A = arith.andi %ne3A, %ne3A_26 : i1
    %sub3A = arith.constant 1 : i32
    %sub3A_27 = arith.subi %div3A, %sub3A : i32
    %select_n3A = arith.select %and3A, %sub3A_27, %div3A : i32
    %jit3A_28 = arith.constant 2 : i32
    %eq3A_29 = arith.constant 0 : i32
    %eq3A_30 = arith.cmpi eq, %jit3A_28, %eq3A_29 : i32
    %jit3A_31 = arith.constant 1 : i32
    %select_n3A_32 = arith.select %eq3A_30, %jit3A_31, %jit3A_28 : i32
    %rem3A_33 = arith.remsi %add3A, %select_n3A_32 : i32
    %ne3A_34 = arith.constant 0 : i32
    %ne3A_35 = arith.cmpi ne, %rem3A_33, %ne3A_34 : i32
    %lt3A_36 = arith.constant 0 : i32
    %lt3A_37 = arith.cmpi slt, %rem3A_33, %lt3A_36 : i32
    %lt3A_38 = arith.constant 0 : i32
    %lt3A_39 = arith.cmpi slt, %select_n3A_32, %lt3A_38 : i32
    %ne3A_40 = arith.xori %lt3A_37, %lt3A_39 : i1
    %and3A_41 = arith.andi %ne3A_40, %ne3A_35 : i1
    %add3A_42 = arith.addi %rem3A_33, %select_n3A_32 : i32
    %select_n3A_43 = arith.select %and3A_41, %add3A_42, %rem3A_33 : i32
    %jit3A_44 = arith.constant 3 : i32
    %eq3A_45 = arith.constant 0 : i32
    %eq3A_46 = arith.cmpi eq, %jit3A_44, %eq3A_45 : i32
    %jit3A_47 = arith.constant 1 : i32
    %select_n3A_48 = arith.select %eq3A_46, %jit3A_47, %jit3A_44 : i32
    %rem3A_49 = arith.remsi %add3A, %select_n3A_48 : i32
    %ne3A_50 = arith.constant 0 : i32
    %ne3A_51 = arith.cmpi ne, %rem3A_49, %ne3A_50 : i32
    %lt3A_52 = arith.constant 0 : i32
    %lt3A_53 = arith.cmpi slt, %rem3A_49, %lt3A_52 : i32
    %lt3A_54 = arith.constant 0 : i32
    %lt3A_55 = arith.cmpi slt, %select_n3A_48, %lt3A_54 : i32
    %ne3A_56 = arith.xori %lt3A_53, %lt3A_55 : i1
    %and3A_57 = arith.andi %ne3A_56, %ne3A_51 : i1
    %add3A_58 = arith.addi %rem3A_49, %select_n3A_48 : i32
    %select_n3A_59 = arith.select %and3A_57, %add3A_58, %rem3A_49 : i32
    %mul3A_60 = arith.constant 1536 : i32
    %mul3A_61 = arith.muli %select_n3A_43, %mul3A_60 : i32
    %mul3A_62 = arith.constant 1536 : i32
    %mul3A_63 = arith.muli %select_n3A_43, %mul3A_62 : i32
    %mul3A_64 = arith.constant 1536 : i32
    %mul3A_65 = arith.muli %select_n3A_43, %mul3A_64 : i32
    %mul3A_66 = arith.constant 1536 : i32
    %mul3A_67 = arith.muli %select_n3A_43, %mul3A_66 : i32
    %dma_wait3A = tpu.memref_slice %arg10[%select_n3A_59] : memref<3x!tpu.dma_semaphore, #tpu.memory_space<semaphore_mem>> -> memref<1x!tpu.dma_semaphore, #tpu.memory_space<semaphore_mem>>
    %dma_wait3A_68 = tpu.memref_squeeze %dma_wait3A : memref<1x!tpu.dma_semaphore, #tpu.memory_space<semaphore_mem>> -> memref<!tpu.dma_semaphore, #tpu.memory_space<semaphore_mem>>
    %dma_wait3A_69 = arith.constant 0 : i32
    %dma_wait3A_70 = arith.constant 0 : i32
    %dma_wait3A_71 = tpu.memref_slice %arg8[%select_n3A_59, %dma_wait3A_69, %dma_wait3A_70] : memref<3x768x1536xf32, #tpu.memory_space<vmem>> -> memref<1x192x1536xf32, #tpu.memory_space<vmem>>
    %dma_wait3A_72 = tpu.memref_squeeze %dma_wait3A_71 : memref<1x192x1536xf32, #tpu.memory_space<vmem>> -> memref<192x1536xf32, #tpu.memory_space<vmem>>
    %dma_wait3A_73 = arith.constant 0 : i32
    %dma_wait3A_74 = tpu.memref_slice %arg5[%select_n3A, %dma_wait3A_73, %mul3A_61] : memref<64x768x3072xf32, #tpu.memory_space<hbm>> -> memref<1x192x1536xf32, #tpu.memory_space<hbm>>
    %dma_wait3A_75 = tpu.memref_squeeze %dma_wait3A_74 : memref<1x192x1536xf32, #tpu.memory_space<hbm>> -> memref<192x1536xf32, #tpu.memory_space<hbm>>
    tpu.wait_dma2 semaphore(%dma_wait3A_68 : memref<!tpu.dma_semaphore, #tpu.memory_space<semaphore_mem>>) src(%dma_wait3A_75 : memref<192x1536xf32, #tpu.memory_space<hbm>>) dst(%dma_wait3A_72 : memref<192x1536xf32, #tpu.memory_space<vmem>>)
    %dma_wait3A_76 = tpu.memref_slice %arg10[%select_n3A_59] : memref<3x!tpu.dma_semaphore, #tpu.memory_space<semaphore_mem>> -> memref<1x!tpu.dma_semaphore, #tpu.memory_space<semaphore_mem>>
    %dma_wait3A_77 = tpu.memref_squeeze %dma_wait3A_76 : memref<1x!tpu.dma_semaphore, #tpu.memory_space<semaphore_mem>> -> memref<!tpu.dma_semaphore, #tpu.memory_space<semaphore_mem>>
    %dma_wait3A_78 = arith.constant 192 : i32
    %dma_wait3A_79 = arith.constant 0 : i32
    %dma_wait3A_80 = tpu.memref_slice %arg8[%select_n3A_59, %dma_wait3A_78, %dma_wait3A_79] : memref<3x768x1536xf32, #tpu.memory_space<vmem>> -> memref<1x192x1536xf32, #tpu.memory_space<vmem>>
    %dma_wait3A_81 = tpu.memref_squeeze %dma_wait3A_80 : memref<1x192x1536xf32, #tpu.memory_space<vmem>> -> memref<192x1536xf32, #tpu.memory_space<vmem>>
    %dma_wait3A_82 = arith.constant 192 : i32
    %dma_wait3A_83 = tpu.memref_slice %arg5[%select_n3A, %dma_wait3A_82, %mul3A_63] : memref<64x768x3072xf32, #tpu.memory_space<hbm>> -> memref<1x192x1536xf32, #tpu.memory_space<hbm>>
    %dma_wait3A_84 = tpu.memref_squeeze %dma_wait3A_83 : memref<1x192x1536xf32, #tpu.memory_space<hbm>> -> memref<192x1536xf32, #tpu.memory_space<hbm>>
    tpu.wait_dma2 semaphore(%dma_wait3A_77 : memref<!tpu.dma_semaphore, #tpu.memory_space<semaphore_mem>>) src(%dma_wait3A_84 : memref<192x1536xf32, #tpu.memory_space<hbm>>) dst(%dma_wait3A_81 : memref<192x1536xf32, #tpu.memory_space<vmem>>)
    %dma_wait3A_85 = tpu.memref_slice %arg10[%select_n3A_59] : memref<3x!tpu.dma_semaphore, #tpu.memory_space<semaphore_mem>> -> memref<1x!tpu.dma_semaphore, #tpu.memory_space<semaphore_mem>>
    %dma_wait3A_86 = tpu.memref_squeeze %dma_wait3A_85 : memref<1x!tpu.dma_semaphore, #tpu.memory_space<semaphore_mem>> -> memref<!tpu.dma_semaphore, #tpu.memory_space<semaphore_mem>>
    %dma_wait3A_87 = arith.constant 384 : i32
    %dma_wait3A_88 = arith.constant 0 : i32
    %dma_wait3A_89 = tpu.memref_slice %arg8[%select_n3A_59, %dma_wait3A_87, %dma_wait3A_88] : memref<3x768x1536xf32, #tpu.memory_space<vmem>> -> memref<1x192x1536xf32, #tpu.memory_space<vmem>>
    %dma_wait3A_90 = tpu.memref_squeeze %dma_wait3A_89 : memref<1x192x1536xf32, #tpu.memory_space<vmem>> -> memref<192x1536xf32, #tpu.memory_space<vmem>>
    %dma_wait3A_91 = arith.constant 384 : i32
    %dma_wait3A_92 = tpu.memref_slice %arg5[%select_n3A, %dma_wait3A_91, %mul3A_65] : memref<64x768x3072xf32, #tpu.memory_space<hbm>> -> memref<1x192x1536xf32, #tpu.memory_space<hbm>>
    %dma_wait3A_93 = tpu.memref_squeeze %dma_wait3A_92 : memref<1x192x1536xf32, #tpu.memory_space<hbm>> -> memref<192x1536xf32, #tpu.memory_space<hbm>>
    tpu.wait_dma2 semaphore(%dma_wait3A_86 : memref<!tpu.dma_semaphore, #tpu.memory_space<semaphore_mem>>) src(%dma_wait3A_93 : memref<192x1536xf32, #tpu.memory_space<hbm>>) dst(%dma_wait3A_90 : memref<192x1536xf32, #tpu.memory_space<vmem>>)
    %dma_wait3A_94 = tpu.memref_slice %arg10[%select_n3A_59] : memref<3x!tpu.dma_semaphore, #tpu.memory_space<semaphore_mem>> -> memref<1x!tpu.dma_semaphore, #tpu.memory_space<semaphore_mem>>
    %dma_wait3A_95 = tpu.memref_squeeze %dma_wait3A_94 : memref<1x!tpu.dma_semaphore, #tpu.memory_space<semaphore_mem>> -> memref<!tpu.dma_semaphore, #tpu.memory_space<semaphore_mem>>
    %dma_wait3A_96 = arith.constant 576 : i32
    %dma_wait3A_97 = arith.constant 0 : i32
    %dma_wait3A_98 = tpu.memref_slice %arg8[%select_n3A_59, %dma_wait3A_96, %dma_wait3A_97] : memref<3x768x1536xf32, #tpu.memory_space<vmem>> -> memref<1x192x1536xf32, #tpu.memory_space<vmem>>
    %dma_wait3A_99 = tpu.memref_squeeze %dma_wait3A_98 : memref<1x192x1536xf32, #tpu.memory_space<vmem>> -> memref<192x1536xf32, #tpu.memory_space<vmem>>
    %dma_wait3A_100 = arith.constant 576 : i32
    %dma_wait3A_101 = tpu.memref_slice %arg5[%select_n3A, %dma_wait3A_100, %mul3A_67] : memref<64x768x3072xf32, #tpu.memory_space<hbm>> -> memref<1x192x1536xf32, #tpu.memory_space<hbm>>
    %dma_wait3A_102 = tpu.memref_squeeze %dma_wait3A_101 : memref<1x192x1536xf32, #tpu.memory_space<hbm>> -> memref<192x1536xf32, #tpu.memory_space<hbm>>
    tpu.wait_dma2 semaphore(%dma_wait3A_95 : memref<!tpu.dma_semaphore, #tpu.memory_space<semaphore_mem>>) src(%dma_wait3A_102 : memref<192x1536xf32, #tpu.memory_space<hbm>>) dst(%dma_wait3A_99 : memref<192x1536xf32, #tpu.memory_space<vmem>>)
    %jit3A_103 = arith.constant 2 : i32
    %div3A_104 = arith.divsi %add3A, %jit3A_103 : i32
    %sign3A_105 = arith.constant 0 : i32
    %sign3A_106 = arith.cmpi sgt, %add3A, %sign3A_105 : i32
    %sign3A_107 = arith.extui %sign3A_106 : i1 to i32
    %sign3A_108 = arith.constant 0 : i32
    %sign3A_109 = arith.cmpi slt, %add3A, %sign3A_108 : i32
    %sign3A_110 = arith.extui %sign3A_109 : i1 to i32
    %sign3A_111 = arith.subi %sign3A_107, %sign3A_110 : i32
    %sign3A_112 = arith.constant 0 : i32
    %sign3A_113 = arith.cmpi sgt, %jit3A_103, %sign3A_112 : i32
    %sign3A_114 = arith.extui %sign3A_113 : i1 to i32
    %sign3A_115 = arith.constant 0 : i32
    %sign3A_116 = arith.cmpi slt, %jit3A_103, %sign3A_115 : i32
    %sign3A_117 = arith.extui %sign3A_116 : i1 to i32
    %sign3A_118 = arith.subi %sign3A_114, %sign3A_117 : i32
    %ne3A_119 = arith.cmpi ne, %sign3A_111, %sign3A_118 : i32
    %rem3A_120 = arith.remsi %add3A, %jit3A_103 : i32
    %ne3A_121 = arith.constant 0 : i32
    %ne3A_122 = arith.cmpi ne, %rem3A_120, %ne3A_121 : i32
    %and3A_123 = arith.andi %ne3A_119, %ne3A_122 : i1
    %sub3A_124 = arith.constant 1 : i32
    %sub3A_125 = arith.subi %div3A_104, %sub3A_124 : i32
    %select_n3A_126 = arith.select %and3A_123, %sub3A_125, %div3A_104 : i32
    %jit3A_127 = arith.constant 2 : i32
    %eq3A_128 = arith.constant 0 : i32
    %eq3A_129 = arith.cmpi eq, %jit3A_127, %eq3A_128 : i32
    %jit3A_130 = arith.constant 1 : i32
    %select_n3A_131 = arith.select %eq3A_129, %jit3A_130, %jit3A_127 : i32
    %rem3A_132 = arith.remsi %add3A, %select_n3A_131 : i32
    %ne3A_133 = arith.constant 0 : i32
    %ne3A_134 = arith.cmpi ne, %rem3A_132, %ne3A_133 : i32
    %lt3A_135 = arith.constant 0 : i32
    %lt3A_136 = arith.cmpi slt, %rem3A_132, %lt3A_135 : i32
    %lt3A_137 = arith.constant 0 : i32
    %lt3A_138 = arith.cmpi slt, %select_n3A_131, %lt3A_137 : i32
    %ne3A_139 = arith.xori %lt3A_136, %lt3A_138 : i1
    %and3A_140 = arith.andi %ne3A_139, %ne3A_134 : i1
    %add3A_141 = arith.addi %rem3A_132, %select_n3A_131 : i32
    %select_n3A_142 = arith.select %and3A_140, %add3A_141, %rem3A_132 : i32
    %jit3A_143 = arith.constant 3 : i32
    %eq3A_144 = arith.constant 0 : i32
    %eq3A_145 = arith.cmpi eq, %jit3A_143, %eq3A_144 : i32
    %jit3A_146 = arith.constant 1 : i32
    %select_n3A_147 = arith.select %eq3A_145, %jit3A_146, %jit3A_143 : i32
    %rem3A_148 = arith.remsi %add3A, %select_n3A_147 : i32
    %ne3A_149 = arith.constant 0 : i32
    %ne3A_150 = arith.cmpi ne, %rem3A_148, %ne3A_149 : i32
    %lt3A_151 = arith.constant 0 : i32
    %lt3A_152 = arith.cmpi slt, %rem3A_148, %lt3A_151 : i32
    %lt3A_153 = arith.constant 0 : i32
    %lt3A_154 = arith.cmpi slt, %select_n3A_147, %lt3A_153 : i32
    %ne3A_155 = arith.xori %lt3A_152, %lt3A_154 : i1
    %and3A_156 = arith.andi %ne3A_155, %ne3A_150 : i1
    %add3A_157 = arith.addi %rem3A_148, %select_n3A_147 : i32
    %select_n3A_158 = arith.select %and3A_156, %add3A_157, %rem3A_148 : i32
    %mul3A_159 = arith.constant 1536 : i32
    %mul3A_160 = arith.muli %select_n3A_142, %mul3A_159 : i32
    %add3A_161 = arith.constant 0 : i32
    %add3A_162 = arith.addi %mul3A_160, %add3A_161 : i32
    %mul3A_163 = arith.constant 1536 : i32
    %mul3A_164 = arith.muli %select_n3A_142, %mul3A_163 : i32
    %add3A_165 = arith.constant 384 : i32
    %add3A_166 = arith.addi %mul3A_164, %add3A_165 : i32
    %mul3A_167 = arith.constant 1536 : i32
    %mul3A_168 = arith.muli %select_n3A_142, %mul3A_167 : i32
    %add3A_169 = arith.constant 768 : i32
    %add3A_170 = arith.addi %mul3A_168, %add3A_169 : i32
    %mul3A_171 = arith.constant 1536 : i32
    %mul3A_172 = arith.muli %select_n3A_142, %mul3A_171 : i32
    %add3A_173 = arith.constant 1152 : i32
    %add3A_174 = arith.addi %mul3A_172, %add3A_173 : i32
    %dma_wait3A_175 = tpu.memref_slice %arg11[%select_n3A_158] : memref<3x!tpu.dma_semaphore, #tpu.memory_space<semaphore_mem>> -> memref<1x!tpu.dma_semaphore, #tpu.memory_space<semaphore_mem>>
    %dma_wait3A_176 = tpu.memref_squeeze %dma_wait3A_175 : memref<1x!tpu.dma_semaphore, #tpu.memory_space<semaphore_mem>> -> memref<!tpu.dma_semaphore, #tpu.memory_space<semaphore_mem>>
    %dma_wait3A_177 = arith.constant 0 : i32
    %dma_wait3A_178 = arith.constant 0 : i32
    %dma_wait3A_179 = tpu.memref_slice %arg9[%select_n3A_158, %dma_wait3A_177, %dma_wait3A_178] : memref<3x1536x768xf32, #tpu.memory_space<vmem>> -> memref<1x384x768xf32, #tpu.memory_space<vmem>>
    %dma_wait3A_180 = tpu.memref_squeeze %dma_wait3A_179 : memref<1x384x768xf32, #tpu.memory_space<vmem>> -> memref<384x768xf32, #tpu.memory_space<vmem>>
    %dma_wait3A_181 = arith.constant 0 : i32
    %dma_wait3A_182 = tpu.memref_slice %arg6[%select_n3A_126, %add3A_162, %dma_wait3A_181] : memref<64x3072x768xf32, #tpu.memory_space<hbm>> -> memref<1x384x768xf32, #tpu.memory_space<hbm>>
    %dma_wait3A_183 = tpu.memref_squeeze %dma_wait3A_182 : memref<1x384x768xf32, #tpu.memory_space<hbm>> -> memref<384x768xf32, #tpu.memory_space<hbm>>
    tpu.wait_dma2 semaphore(%dma_wait3A_176 : memref<!tpu.dma_semaphore, #tpu.memory_space<semaphore_mem>>) src(%dma_wait3A_183 : memref<384x768xf32, #tpu.memory_space<hbm>>) dst(%dma_wait3A_180 : memref<384x768xf32, #tpu.memory_space<vmem>>)
    %dma_wait3A_184 = tpu.memref_slice %arg11[%select_n3A_158] : memref<3x!tpu.dma_semaphore, #tpu.memory_space<semaphore_mem>> -> memref<1x!tpu.dma_semaphore, #tpu.memory_space<semaphore_mem>>
    %dma_wait3A_185 = tpu.memref_squeeze %dma_wait3A_184 : memref<1x!tpu.dma_semaphore, #tpu.memory_space<semaphore_mem>> -> memref<!tpu.dma_semaphore, #tpu.memory_space<semaphore_mem>>
    %dma_wait3A_186 = arith.constant 384 : i32
    %dma_wait3A_187 = arith.constant 0 : i32
    %dma_wait3A_188 = tpu.memref_slice %arg9[%select_n3A_158, %dma_wait3A_186, %dma_wait3A_187] : memref<3x1536x768xf32, #tpu.memory_space<vmem>> -> memref<1x384x768xf32, #tpu.memory_space<vmem>>
    %dma_wait3A_189 = tpu.memref_squeeze %dma_wait3A_188 : memref<1x384x768xf32, #tpu.memory_space<vmem>> -> memref<384x768xf32, #tpu.memory_space<vmem>>
    %dma_wait3A_190 = arith.constant 0 : i32
    %dma_wait3A_191 = tpu.memref_slice %arg6[%select_n3A_126, %add3A_166, %dma_wait3A_190] : memref<64x3072x768xf32, #tpu.memory_space<hbm>> -> memref<1x384x768xf32, #tpu.memory_space<hbm>>
    %dma_wait3A_192 = tpu.memref_squeeze %dma_wait3A_191 : memref<1x384x768xf32, #tpu.memory_space<hbm>> -> memref<384x768xf32, #tpu.memory_space<hbm>>
    tpu.wait_dma2 semaphore(%dma_wait3A_185 : memref<!tpu.dma_semaphore, #tpu.memory_space<semaphore_mem>>) src(%dma_wait3A_192 : memref<384x768xf32, #tpu.memory_space<hbm>>) dst(%dma_wait3A_189 : memref<384x768xf32, #tpu.memory_space<vmem>>)
    %dma_wait3A_193 = tpu.memref_slice %arg11[%select_n3A_158] : memref<3x!tpu.dma_semaphore, #tpu.memory_space<semaphore_mem>> -> memref<1x!tpu.dma_semaphore, #tpu.memory_space<semaphore_mem>>
    %dma_wait3A_194 = tpu.memref_squeeze %dma_wait3A_193 : memref<1x!tpu.dma_semaphore, #tpu.memory_space<semaphore_mem>> -> memref<!tpu.dma_semaphore, #tpu.memory_space<semaphore_mem>>
    %dma_wait3A_195 = arith.constant 768 : i32
    %dma_wait3A_196 = arith.constant 0 : i32
    %dma_wait3A_197 = tpu.memref_slice %arg9[%select_n3A_158, %dma_wait3A_195, %dma_wait3A_196] : memref<3x1536x768xf32, #tpu.memory_space<vmem>> -> memref<1x384x768xf32, #tpu.memory_space<vmem>>
    %dma_wait3A_198 = tpu.memref_squeeze %dma_wait3A_197 : memref<1x384x768xf32, #tpu.memory_space<vmem>> -> memref<384x768xf32, #tpu.memory_space<vmem>>
    %dma_wait3A_199 = arith.constant 0 : i32
    %dma_wait3A_200 = tpu.memref_slice %arg6[%select_n3A_126, %add3A_170, %dma_wait3A_199] : memref<64x3072x768xf32, #tpu.memory_space<hbm>> -> memref<1x384x768xf32, #tpu.memory_space<hbm>>
    %dma_wait3A_201 = tpu.memref_squeeze %dma_wait3A_200 : memref<1x384x768xf32, #tpu.memory_space<hbm>> -> memref<384x768xf32, #tpu.memory_space<hbm>>
    tpu.wait_dma2 semaphore(%dma_wait3A_194 : memref<!tpu.dma_semaphore, #tpu.memory_space<semaphore_mem>>) src(%dma_wait3A_201 : memref<384x768xf32, #tpu.memory_space<hbm>>) dst(%dma_wait3A_198 : memref<384x768xf32, #tpu.memory_space<vmem>>)
    %dma_wait3A_202 = tpu.memref_slice %arg11[%select_n3A_158] : memref<3x!tpu.dma_semaphore, #tpu.memory_space<semaphore_mem>> -> memref<1x!tpu.dma_semaphore, #tpu.memory_space<semaphore_mem>>
    %dma_wait3A_203 = tpu.memref_squeeze %dma_wait3A_202 : memref<1x!tpu.dma_semaphore, #tpu.memory_space<semaphore_mem>> -> memref<!tpu.dma_semaphore, #tpu.memory_space<semaphore_mem>>
    %dma_wait3A_204 = arith.constant 1152 : i32
    %dma_wait3A_205 = arith.constant 0 : i32
    %dma_wait3A_206 = tpu.memref_slice %arg9[%select_n3A_158, %dma_wait3A_204, %dma_wait3A_205] : memref<3x1536x768xf32, #tpu.memory_space<vmem>> -> memref<1x384x768xf32, #tpu.memory_space<vmem>>
    %dma_wait3A_207 = tpu.memref_squeeze %dma_wait3A_206 : memref<1x384x768xf32, #tpu.memory_space<vmem>> -> memref<384x768xf32, #tpu.memory_space<vmem>>
    %dma_wait3A_208 = arith.constant 0 : i32
    %dma_wait3A_209 = tpu.memref_slice %arg6[%select_n3A_126, %add3A_174, %dma_wait3A_208] : memref<64x3072x768xf32, #tpu.memory_space<hbm>> -> memref<1x384x768xf32, #tpu.memory_space<hbm>>
    %dma_wait3A_210 = tpu.memref_squeeze %dma_wait3A_209 : memref<1x384x768xf32, #tpu.memory_space<hbm>> -> memref<384x768xf32, #tpu.memory_space<hbm>>
    tpu.wait_dma2 semaphore(%dma_wait3A_203 : memref<!tpu.dma_semaphore, #tpu.memory_space<semaphore_mem>>) src(%dma_wait3A_210 : memref<384x768xf32, #tpu.memory_space<hbm>>) dst(%dma_wait3A_207 : memref<384x768xf32, #tpu.memory_space<vmem>>)
    %jit3A_211 = arith.constant 3 : i32
    %eq3A_212 = arith.constant 0 : i32
    %eq3A_213 = arith.cmpi eq, %jit3A_211, %eq3A_212 : i32
    %jit3A_214 = arith.constant 1 : i32
    %select_n3A_215 = arith.select %eq3A_213, %jit3A_214, %jit3A_211 : i32
    %rem3A_216 = arith.remsi %add3A, %select_n3A_215 : i32
    %ne3A_217 = arith.constant 0 : i32
    %ne3A_218 = arith.cmpi ne, %rem3A_216, %ne3A_217 : i32
    %lt3A_219 = arith.constant 0 : i32
    %lt3A_220 = arith.cmpi slt, %rem3A_216, %lt3A_219 : i32
    %lt3A_221 = arith.constant 0 : i32
    %lt3A_222 = arith.cmpi slt, %select_n3A_215, %lt3A_221 : i32
    %ne3A_223 = arith.xori %lt3A_220, %lt3A_222 : i1
    %and3A_224 = arith.andi %ne3A_223, %ne3A_218 : i1
    %add3A_225 = arith.addi %rem3A_216, %select_n3A_215 : i32
    %select_n3A_226 = arith.select %and3A_224, %add3A_225, %rem3A_216 : i32
    %get3A_227 = arith.index_cast %select_n3A_226 : i32 to index
    %get3A_228 = arith.constant 0 : index
    %get3A_229 = arith.constant 0 : index
    %get3A_230 = vector.load %arg8[%get3A_227, %get3A_228, %get3A_229] : memref<3x768x1536xf32, #tpu.memory_space<vmem>>, vector<1x768x1536xf32>
    %get3A_231 = vector.shape_cast %get3A_230 : vector<1x768x1536xf32> to vector<768x1536xf32>
    %get3A_232 = arith.index_cast %select_n3A_226 : i32 to index
    %get3A_233 = arith.constant 0 : index
    %get3A_234 = arith.constant 0 : index
    %get3A_235 = vector.load %arg9[%get3A_232, %get3A_233, %get3A_234] : memref<3x1536x768xf32, #tpu.memory_space<vmem>>, vector<1x1536x768xf32>
    %get3A_236 = vector.shape_cast %get3A_235 : vector<1x1536x768xf32> to vector<1536x768xf32>
    %while3A = arith.constant 0 : i32
    %while3A_237 = arith.constant 0 : i32
    %while3A_238 = arith.subi %get3A_3, %while3A_237 : i32
    %while3A_239 = arith.addi %while3A_237, %while3A_238 : i32
    %while3A_240 = arith.constant 1 : i32
    %while3A_241 = arith.divsi %while3A_238, %while3A_240 : i32
    %while3A_242 = arith.muli %while3A_241, %while3A_240 : i32
    %while3A_243 = arith.addi %while3A_237, %while3A_242 : i32
    %while3A_244 = arith.constant 1 : i32
    scf.for %while3A_246 = %while3A_237 to %while3A_243 step %while3A_244  : i32 {
      %mul3A_247 = arith.constant 32 : i32
      %mul3A_248 = arith.muli %while3A_246, %mul3A_247 : i32
      %add3A_249 = arith.addi %get3A_1, %mul3A_248 : i32
      %multiple_of3A = tpu.assume_multiple %add3A_249, 32 : i32
      %get3A_250 = arith.index_cast %multiple_of3A : i32 to index
      %get3A_251 = arith.constant 0 : index
      %get3A_252 = vector.load %arg4[%get3A_250, %get3A_251] : memref<4096x768xf32, #tpu.memory_space<vmem>>, vector<32x768xf32>
      %dot_general3A = arith.constant dense<0.000000e+00> : vector<32x1536xf32>
      %dot_general3A_253 = tpu.matmul %get3A_252, %get3A_231, %dot_general3A {dimension_numbers = #tpu.dot_dimension_numbers<[1], [0], [0], [1], [0, 0, 1, 1], [], []>, transpose_lhs_hint = false} : vector<32x768xf32>, vector<768x1536xf32>, vector<32x1536xf32> -> vector<32x1536xf32>
      %integer_pow3A = arith.mulf %dot_general3A_253, %dot_general3A_253 : vector<32x1536xf32>
      %integer_pow3A_254 = arith.mulf %dot_general3A_253, %integer_pow3A : vector<32x1536xf32>
      %mul3A_255 = arith.constant 4.471500e-02 : f32
      %mul3A_256 = vector.broadcast %mul3A_255 : f32 to vector<32x1536xf32>
      %mul3A_257 = arith.mulf %mul3A_256, %integer_pow3A_254 : vector<32x1536xf32>
      %add3A_258 = arith.addf %dot_general3A_253, %mul3A_257 : vector<32x1536xf32>
      %mul3A_259 = arith.constant 0.797884583 : f32
      %mul3A_260 = vector.broadcast %mul3A_259 : f32 to vector<32x1536xf32>
      %mul3A_261 = arith.mulf %mul3A_260, %add3A_258 : vector<32x1536xf32>
      %tanh3A = math.tanh %mul3A_261 : vector<32x1536xf32>
      %add3A_262 = arith.constant 1.000000e+00 : f32
      %add3A_263 = vector.broadcast %add3A_262 : f32 to vector<32x1536xf32>
      %add3A_264 = arith.addf %add3A_263, %tanh3A : vector<32x1536xf32>
      %mul3A_265 = arith.constant 5.000000e-01 : f32
      %mul3A_266 = vector.broadcast %mul3A_265 : f32 to vector<32x1536xf32>
      %mul3A_267 = arith.mulf %mul3A_266, %add3A_264 : vector<32x1536xf32>
      %mul3A_268 = arith.mulf %dot_general3A_253, %mul3A_267 : vector<32x1536xf32>
      %dot_general3A_269 = arith.constant dense<0.000000e+00> : vector<32x768xf32>
      %dot_general3A_270 = tpu.matmul %mul3A_268, %get3A_236, %dot_general3A_269 {dimension_numbers = #tpu.dot_dimension_numbers<[1], [0], [0], [1], [0, 0, 1, 1], [], []>, transpose_lhs_hint = false} : vector<32x1536xf32>, vector<1536x768xf32>, vector<32x768xf32> -> vector<32x768xf32>
      %eq3A_271 = arith.constant 0 : i32
      %eq3A_272 = arith.cmpi eq, %arg1, %eq3A_271 : i32
      %convert_element_type3A_273 = arith.extui %eq3A_272 : i1 to i32
      %cond3A_274 = arith.constant 0 : i32
      %cond3A_275 = arith.cmpi ne, %convert_element_type3A_273, %cond3A_274 : i32
      scf.if %cond3A_275 {
        %swap3A = arith.index_cast %multiple_of3A : i32 to index
        %swap3A_281 = arith.constant 0 : index
        %swap3A_282 = vector.load %arg7[%swap3A, %swap3A_281] : memref<4096x768xf32, #tpu.memory_space<vmem>>, vector<32x768xf32>
        tpu.vector_store %arg7[%swap3A, %swap3A_281], %dot_general3A_270 {strides = array<i32>} : memref<4096x768xf32, #tpu.memory_space<vmem>>, vector<32x768xf32>,
      } else {
      }
      %ne3A_276 = arith.constant 0 : i32
      %ne3A_277 = arith.cmpi ne, %arg1, %ne3A_276 : i32
      %convert_element_type3A_278 = arith.extui %ne3A_277 : i1 to i32
      %cond3A_279 = arith.constant 0 : i32
      %cond3A_280 = arith.cmpi ne, %convert_element_type3A_278, %cond3A_279 : i32
      scf.if %cond3A_280 {
        %get3A_281 = arith.index_cast %multiple_of3A : i32 to index
        %get3A_282 = arith.constant 0 : index
        %get3A_283 = vector.load %arg7[%get3A_281, %get3A_282] : memref<4096x768xf32, #tpu.memory_space<vmem>>, vector<32x768xf32>
        %add3A_284 = arith.addf %get3A_283, %dot_general3A_270 : vector<32x768xf32>
        %swap3A = arith.index_cast %multiple_of3A : i32 to index
        %swap3A_285 = arith.constant 0 : index
        %swap3A_286 = vector.load %arg7[%swap3A, %swap3A_285] : memref<4096x768xf32, #tpu.memory_space<vmem>>, vector<32x768xf32>
        tpu.vector_store %arg7[%swap3A, %swap3A_285], %add3A_284 {strides = array<i32>} : memref<4096x768xf32, #tpu.memory_space<vmem>>, vector<32x768xf32>,
      } else {
      }
    }
    %while3A_245 = arith.constant 1 : i32
    scf.for %while3A_246 = %while3A_243 to %while3A_239 step %while3A_245  : i32 {
      %mul3A_247 = arith.constant 32 : i32
      %mul3A_248 = arith.muli %while3A_246, %mul3A_247 : i32
      %add3A_249 = arith.addi %get3A_1, %mul3A_248 : i32
      %multiple_of3A = tpu.assume_multiple %add3A_249, 32 : i32
      %get3A_250 = arith.index_cast %multiple_of3A : i32 to index
      %get3A_251 = arith.constant 0 : index
      %get3A_252 = vector.load %arg4[%get3A_250, %get3A_251] : memref<4096x768xf32, #tpu.memory_space<vmem>>, vector<32x768xf32>
      %dot_general3A = arith.constant dense<0.000000e+00> : vector<32x1536xf32>
      %dot_general3A_253 = tpu.matmul %get3A_252, %get3A_231, %dot_general3A {dimension_numbers = #tpu.dot_dimension_numbers<[1], [0], [0], [1], [0, 0, 1, 1], [], []>, transpose_lhs_hint = false} : vector<32x768xf32>, vector<768x1536xf32>, vector<32x1536xf32> -> vector<32x1536xf32>
      %integer_pow3A = arith.mulf %dot_general3A_253, %dot_general3A_253 : vector<32x1536xf32>
      %integer_pow3A_254 = arith.mulf %dot_general3A_253, %integer_pow3A : vector<32x1536xf32>
      %mul3A_255 = arith.constant 4.471500e-02 : f32
      %mul3A_256 = vector.broadcast %mul3A_255 : f32 to vector<32x1536xf32>
      %mul3A_257 = arith.mulf %mul3A_256, %integer_pow3A_254 : vector<32x1536xf32>
      %add3A_258 = arith.addf %dot_general3A_253, %mul3A_257 : vector<32x1536xf32>
      %mul3A_259 = arith.constant 0.797884583 : f32
      %mul3A_260 = vector.broadcast %mul3A_259 : f32 to vector<32x1536xf32>
      %mul3A_261 = arith.mulf %mul3A_260, %add3A_258 : vector<32x1536xf32>
      %tanh3A = math.tanh %mul3A_261 : vector<32x1536xf32>
      %add3A_262 = arith.constant 1.000000e+00 : f32
      %add3A_263 = vector.broadcast %add3A_262 : f32 to vector<32x1536xf32>
      %add3A_264 = arith.addf %add3A_263, %tanh3A : vector<32x1536xf32>
      %mul3A_265 = arith.constant 5.000000e-01 : f32
      %mul3A_266 = vector.broadcast %mul3A_265 : f32 to vector<32x1536xf32>
      %mul3A_267 = arith.mulf %mul3A_266, %add3A_264 : vector<32x1536xf32>
      %mul3A_268 = arith.mulf %dot_general3A_253, %mul3A_267 : vector<32x1536xf32>
      %dot_general3A_269 = arith.constant dense<0.000000e+00> : vector<32x768xf32>
      %dot_general3A_270 = tpu.matmul %mul3A_268, %get3A_236, %dot_general3A_269 {dimension_numbers = #tpu.dot_dimension_numbers<[1], [0], [0], [1], [0, 0, 1, 1], [], []>, transpose_lhs_hint = false} : vector<32x1536xf32>, vector<1536x768xf32>, vector<32x768xf32> -> vector<32x768xf32>
      %eq3A_271 = arith.constant 0 : i32
      %eq3A_272 = arith.cmpi eq, %arg1, %eq3A_271 : i32
      %convert_element_type3A_273 = arith.extui %eq3A_272 : i1 to i32
      %cond3A_274 = arith.constant 0 : i32
      %cond3A_275 = arith.cmpi ne, %convert_element_type3A_273, %cond3A_274 : i32
      scf.if %cond3A_275 {
        %swap3A = arith.index_cast %multiple_of3A : i32 to index
        %swap3A_281 = arith.constant 0 : index
        %swap3A_282 = vector.load %arg7[%swap3A, %swap3A_281] : memref<4096x768xf32, #tpu.memory_space<vmem>>, vector<32x768xf32>
        tpu.vector_store %arg7[%swap3A, %swap3A_281], %dot_general3A_270 {strides = array<i32>} : memref<4096x768xf32, #tpu.memory_space<vmem>>, vector<32x768xf32>,
      } else {
      }
      %ne3A_276 = arith.constant 0 : i32
      %ne3A_277 = arith.cmpi ne, %arg1, %ne3A_276 : i32
      %convert_element_type3A_278 = arith.extui %ne3A_277 : i1 to i32
      %cond3A_279 = arith.constant 0 : i32
      %cond3A_280 = arith.cmpi ne, %convert_element_type3A_278, %cond3A_279 : i32
      scf.if %cond3A_280 {
        %get3A_281 = arith.index_cast %multiple_of3A : i32 to index
        %get3A_282 = arith.constant 0 : index
        %get3A_283 = vector.load %arg7[%get3A_281, %get3A_282] : memref<4096x768xf32, #tpu.memory_space<vmem>>, vector<32x768xf32>
        %add3A_284 = arith.addf %get3A_283, %dot_general3A_270 : vector<32x768xf32>
        %swap3A = arith.index_cast %multiple_of3A : i32 to index
        %swap3A_285 = arith.constant 0 : index
        %swap3A_286 = vector.load %arg7[%swap3A, %swap3A_285] : memref<4096x768xf32, #tpu.memory_space<vmem>>, vector<32x768xf32>
        tpu.vector_store %arg7[%swap3A, %swap3A_285], %add3A_284 {strides = array<i32>} : memref<4096x768xf32, #tpu.memory_space<vmem>>, vector<32x768xf32>,
      } else {
      }
    }
    return
  }
  func.func @transform_0(%arg0: i32, %arg1: i32, %arg2: memref<64xi32, #tpu.memory_space<smem>>, %arg3: memref<64xi32, #tpu.memory_space<smem>>) -> (i32, i32) {
    %c0_i32 = arith.constant 0 : i32
    %c0_i32_0 = arith.constant 0 : i32
    %c0_i32_1 = arith.constant 0 : i32
    return %c0_i32, %c0_i32_0 : i32, i32
  }
  func.func @transform_3(%arg0: i32, %arg1: i32, %arg2: memref<64xi32, #tpu.memory_space<smem>>, %arg3: memref<64xi32, #tpu.memory_space<smem>>) -> (i32, i32) {
    %c0_i32 = arith.constant 0 : i32
    %c0_i32_0 = arith.constant 0 : i32
    %c0_i32_1 = arith.constant 0 : i32
    return %c0_i32, %c0_i32_0 : i32, i32
  }
}

</mosaic_0001>

<sc_bundles>
// kernel: kernel.6.cloned.1.call-start
scs
__scs_entry_jumppad:
0x0: {  	(pc) =	sbr.rel $0x88, $3  }
0x1: {  	(tag) =	ssettag $0x0;
	lr =	simm.s32 $0x1  }
0x2: {  	[smem:$0x3F9D] =	sst lr;
	_ =	strace $0xD0000000  }
0x3: {  	_ = 	snop  }
0x4: {  	_ = 	snop  }
0x5: {  	_ = 	snop  }
0x6: {  	_ = 	snop  }
0x7: {  	_ = 	snop  }
__scs_overlays_trampoline_lowered:
0x8: {  	[smem:$0x3FAC] =	sst s0  }
0x9: {  	[smem:$0x3FAD] =	sst s1  }
0xa: {  	[smem:$0x3FAE] =	sst s2  }
0xb: {  	[smem:$0x3FAF] =	sst s3  }
0xc: {  	[smem:$0x3FB0] =	sst s4  }
0xd: {  	[smem:$0x3FB1] =	sst s5  }
0xe: {  	[smem:$0x3FB2] =	sst s6  }
0xf: {  	[smem:$0x3FB3] =	sst s7  }
0x10: {  	[smem:$0x3FB4] =	sst s8  }
0x11: {  	[smem:$0x3FB5] =	sst s9;
	s0 =	simm.s32 @!p0 $0x0  }
0x12: {  	s1 =	sld [smem:$0x3F9B];
	s0 =	simm.s32 @p0 $0x1  }
0x13: {  	[smem:$0x3FB6] =	sst s0;
	s0 =	simm.s32 @!p1 $0x0  }
0x14: {  	s2 =	sld [smem:$0x3F9A];
	s0 =	simm.s32 @p1 $0x1  }
0x15: {  	[smem:$0x3FB7] =	sst s0;
	s0 =	simm.s32 @!p2 $0x0  }
0x16: {  	s3 =	sld [smem:$0x3FDB];
	s0 =	simm.s32 @p2 $0x1  }
0x17: {  	s4 =	simm.s32 $0x1BF5;
	[smem:$0x3FB9] =	sst s0  }
0x18: {  	s0 =	sld [smem:$0x3F9C];
	_ =	swait.ge [sflag:s4], $0x0  }
0x19: {  	s7 =	sld [smem:$0x3F9D]  }
0x1a: {  	s8 =	sadd.s32 $0xFFFFE003, lr  }
0x1b: {  	s9 =	sadd.s32 $0xFFFFFEF7, lr;
	s5 =	simm.s32 $0xFFFFFFFF;
	p2 =	slt.u32 s8, $0xFFFFF086  }
0x1c: {  	p1 =	slt.u32 s9, $0xF7A;
	s5 =	simm.s32 @!p2 $0x0  }
0x1d: {  	s5 =	simm.s32 @p1 $0x1;
	p0 =	seq.s32 s7, s2  }
0x1e: {  	s7 =	smul.u32 @!p0 $0xF7A, s2;
	p2 =	seq.s32 @!p0 s5, $0x0  }
0x1f: {  	s9 =	smul.u32 $0xF7A, s1;
	s8 =	simm.s32 @!p0 $0x1BF5;
	p2 =	por !p2, p0  }
0x20: {  	[sflag:s8] =	ssyncset.s32 @!p0 $0xFFFFF086;
	s6 =	sadd.s32 @!p0 s3, s7;
	s7 =	simm.s32 @!p0 $0x108  }
0x21: {  	s3 =	sadd.s32 s3, s9;
	s6 =	sadd.s32 @!p0 $0x88, s6;
	s7 =	simm.s32 @p2 $0x1082  }
0x22: {  	[simem:s7], [sflag:s8] =	dma.local @!p0 [hbm:s6], $0xF7A  }
0x23: {  	s9 =	sor.u32 $0xD0000000, s2;
	s6 =	simm.s32 $0x108;
	_ =	swait.ge @!p0 [sflag:s8], $0x0  }
0x24: {  	s3 =	sadd.s32 $0x88, s3;
	s6 =	simm.s32 @!p1 $0x1082;
	[sflag:s4] =	ssyncset.s32 $0xFFFFF086  }
0x25: {  	[simem:s6], [sflag:s4] =	dma.local [hbm:s3], $0xF7A  }
0x26: {  	[smem:$0x3F9D] =	sst s1;
	(tag) =	ssettag s2;
	_ =	strace s9  }
0x27: {  	s1 =	sld [smem:$0x3FAD]  }
0x28: {  	s2 =	sld [smem:$0x3FAE]  }
0x29: {  	s4 =	sld [smem:$0x3FB0]  }
0x2a: {  	p0 =	seq.s32 s5, $0x0;
	s5 =	sld [smem:$0x3FB1]  }
0x2b: {  	s6 =	sld [smem:$0x3FB2]  }
0x2c: {  	s7 =	sld [smem:$0x3FB3]  }
0x2d: {  	s3 =	simm.s32 $0x108;
	s8 =	sld [smem:$0x3FB4]  }
0x2e: {  	s3 =	simm.s32 @!p0 $0x1082;
	s9 =	sld [smem:$0x3FB5]  }
0x2f: {  	lr =	sadd.s32 s0, s3;
	s0 =	sld [smem:$0x3FAC]  }
0x30: {  	s3 =	sld [smem:$0x3FAF]  }
0x31: {  	[smem:$0x3FB8] =	sst s10  }
0x32: {  	s10 =	sld [smem:$0x3FB6];
	_ =	sdelay $0x3  }
0x33: {  	p0 =	seq.s32 s10, $0x1;
	s10 =	sld [smem:$0x3FB8];
	_ =	sdelay $0x3  }
0x34: {  	[smem:$0x3FB8] =	sst s10  }
0x35: {  	s10 =	sld [smem:$0x3FB7];
	_ =	sdelay $0x3  }
0x36: {  	p1 =	seq.s32 s10, $0x1;
	s10 =	sld [smem:$0x3FB8];
	_ =	sdelay $0x3  }
0x37: {  	[smem:$0x3FB8] =	sst s10  }
0x38: {  	s10 =	sld [smem:$0x3FB9]  }
0x39: {  	_ = 	snop;
	(pc) =	sbr.ind lr, $3  }
0x3a: {  	_ = 	snop  }
0x3b: {  	_ = 	snop  }
0x3c: {  	p2 =	seq.s32 s10, $0x1;
	s10 =	sld [smem:$0x3FB8]  }
0x3d: {  	_ =	shalt  }
0x3e: {  	_ =	shalt  }
0x3f: {  	_ =	shalt  }
0x40: {  	_ =	shalt  }
0x41: {  	_ =	shalt  }
0x42: {  	_ =	shalt  }
0x43: {  	_ =	shalt  }
0x44: {  	_ =	shalt  }
0x45: {  	_ =	shalt  }
0x46: {  	_ =	shalt  }
0x47: {  	_ =	shalt  }
0x48: {  	_ =	shalt  }
0x49: {  	_ =	shalt  }
0x4a: {  	_ =	shalt  }
0x4b: {  	_ =	shalt  }
0x4c: {  	_ =	shalt  }
0x4d: {  	_ =	shalt  }
0x4e: {  	_ =	shalt  }
0x4f: {  	_ =	shalt  }
0x50: {  	_ =	shalt  }
0x51: {  	_ =	shalt  }
0x52: {  	_ =	shalt  }
0x53: {  	_ =	shalt  }
0x54: {  	_ =	shalt  }
0x55: {  	_ =	shalt  }
0x56: {  	_ =	shalt  }
0x57: {  	_ =	shalt  }
0x58: {  	_ =	shalt  }
0x59: {  	_ =	shalt  }
0x5a: {  	_ =	shalt  }
0x5b: {  	_ =	shalt  }
0x5c: {  	_ =	shalt  }
0x5d: {  	_ =	shalt  }
0x5e: {  	_ =	shalt  }
0x5f: {  	_ =	shalt  }
0x60: {  	_ =	shalt  }
0x61: {  	_ =	shalt  }
0x62: {  	_ =	shalt  }
0x63: {  	_ =	shalt  }
0x64: {  	_ =	shalt  }
0x65: {  	_ =	shalt  }
0x66: {  	_ =	shalt  }
0x67: {  	_ =	shalt  }
0x68: {  	_ =	shalt  }
0x69: {  	_ =	shalt  }
0x6a: {  	_ =	shalt  }
0x6b: {  	_ =	shalt  }
0x6c: {  	_ =	shalt  }
0x6d: {  	_ =	shalt  }
0x6e: {  	_ =	shalt  }
0x6f: {  	_ =	shalt  }
0x70: {  	_ =	shalt  }
0x71: {  	_ =	shalt  }
0x72: {  	_ =	shalt  }
0x73: {  	_ =	shalt  }
0x74: {  	_ =	shalt  }
0x75: {  	_ =	shalt  }
0x76: {  	_ =	shalt  }
0x77: {  	_ =	shalt  }
0x78: {  	_ =	shalt  }
0x79: {  	_ =	shalt  }
0x7a: {  	_ =	shalt  }
0x7b: {  	_ =	shalt  }
0x7c: {  	_ =	shalt  }
0x7d: {  	_ =	shalt  }
0x7e: {  	_ =	shalt  }
0x7f: {  	_ =	shalt  }
0x80: {  	_ =	shalt  }
0x81: {  	_ =	shalt  }
0x82: {  	_ =	shalt  }
0x83: {  	_ =	shalt  }
0x84: {  	_ =	shalt  }
0x85: {  	_ =	shalt  }
0x86: {  	_ =	shalt  }
0x87: {  	_ =	shalt  }
.Lfunc_end0:
.L_simem_size_0:
called_computation_lowered:
.L_overlay_start_0:
0x88: {  	s2 =	sld [smem:$0x3FD9]  }
0x89: {  	s3 =	sld [smem:$0x3FFE];
	_ =	sdelay $0x1  }
0x8a: {  	s1 =	srdreg.scid  }
0x8b: {  	s0 =	sand.u32 $0x1, s1  }
0x8c: {  	s17 =	sshll.u32 s0, $0xA;
	s2 =	sadd.s32 s3, s2  }
0x8d: {  	s2 =	sadd.s32 s2, s17  }
0x8e: {  	[smem:$0x3FC4] =	sst s2  }
0x8f: {  	_ = 	snop  }
0x90: {  	s2 =	sld [smem:$0x3FC9];
	(tm) =	ssettm $0x1  }
0x91: {  	s18 =	sld [smem:$0x3FFB];
	_ =	sdelay $0x3  }
0x92: {  	_ =	strace s18  }
0x93: {  	s3 =	sld [smem:$0x3FFC];
	_ =	sdelay $0x3  }
0x94: {  	_ =	strace s3  }
0x95: {  	s3 =	sld [smem:$0x3FFD];
	_ =	sdelay $0x3  }
0x96: {  	_ =	strace s3  }
0x97: {  	_ =	strace $0x8FFFFFFF  }
0x98: {  	s19 =	sld [smem:$0x3FDB];
	_ =	sdelay $0x1  }
0x99: {  	s4 =	simm.s32 $_scs_section_size  }
0x9a: {  	s5 =	simm.s32 $_size__tile_overlayer_lowered;
	s6 =	simm.s32 $_tile_overlayer_lowered  }
0x9b: {  	s22 =	simm.s32 $0x1BFF;
	s21 =	sshll.u32 s6, $0x1;
	s3 =	sadd.s32 s4, s19  }
0x9c: {  	s7 =	simm.s32 $0x0;
	s20 =	sshll.u32 s5, $0x1;
	s5 =	sadd.s32 s21, s3  }
0x9d: {  	[timem:s7], [sflag:s22] =	dma.local [hbm:s5], s20  }
0x9e: {  	_ =	swait.ge [sflag:s22], s20  }
0x9f: {  	s4 =	ssub.s32 $0x0, s20;
	[sflag:s22] =	ssyncset.done $0x0  }
0xa0: {  	[sflag:s22] =	ssyncadd.s32 s4;
	_ =	sdelay $0x1  }
0xa1: {  	s23 =	simm.s32 $0x1B8B  }
0xa2: {  	_ =	swait.ge [sflag:s23], $0x1  }
0xa3: {  	[sflag:s23] =	ssyncset.done $0x0  }
0xa4: {  	s25 =	simm.s32 $0x1B8E;
	s24 =	sld [smem:$0x3FFE];
	[sflag:s23] =	ssyncadd.s32 $0xFFFFFFFF  }
0xa5: {  	s26 =	simm.s32 $execute0_lowered;
	[smem:$0x3FD2] =	sst s25  }
0xa6: {  	s5 =	sshll.u32 s26, $0x1;
	_ =	strace $0x80000046;
	[dreg:$0x1] =	wrdreg $0xFFFFFFFF  }
0xa7: {  	s28 =	simm.s32 $_size_execute0_lowered;
	s3 =	sadd.s32 s3, s5;
	[dreg:$0x0] =	wrdreg $0x0  }
0xa8: {  	s5 =	sshll.u32 s28, $0x1;
	[dreg:$0x2] =	wrdreg s3  }
0xa9: {  	[dreg:$0x3] =	wrdreg s5  }
0xaa: {  	[dreg:$0x4] =	wrdreg $0xC0  }
0xab: {  	_ =	task [dreg:s7], $0x5FFFF  }
0xac: {  	[dreg:$0x1] =	wrdreg $0xFFFFFFFF  }
0xad: {  	[dreg:$0x0] =	wrdreg $0x60  }
0xae: {  	[dreg:$0x2] =	wrdreg s2  }
0xaf: {  	[dreg:$0x3] =	wrdreg s24  }
0xb0: {  	[dreg:$0x4] =	wrdreg $0x9  }
0xb1: {  	_ =	task.clear_ibuf [dreg:s7], $0x5FFFF;
	_ =	strace $0x90000046  }
0xb2: {  	s29 =	simm.s32 $0x9;
	_ =	strace $0x80000048  }
0xb3: {  	_ =	swait.ge [sflag:s29], $0x1  }
0xb4: {  	[sflag:s29] =	ssyncadd.s32 $0xFFFFFFFF  }
0xb5: {  	_ =	strace $0x90000048  }
0xb6: {  	_ =	sfence  }
0xb7: {  	s30 =	sld [smem:$0x0];
	_ =	sdelay $0x2  }
0xb8: {  	s31 =	sshll.u32 s1, $0xD;
	s1 =	sshrl.u32 s1, $0x2  }
0xb9: {  	s3 =	sand.u32 $0x4000, s31;
	s1 =	sadd.s32 s1, s30  }
0xba: {  	s0 =	sor.u32 s3, s0;
	s1 =	sshll.u32 s1, $0x11  }
0xbb: {  	s0 =	sor.u32 s1, s0  }
0xbc: {  	s0 =	sadd.s32 $0x8F2B, s0  }
0xbd: {  	[sflag:s0] =	ssyncadd.remote.s32 $0x1  }
0xbe: {  	_ =	sfence.sel $0xFFFF  }
0xbf: {  	[dreg:$0x0] =	wrdreg $0xFFFFFFFF;
	(pc) =	sbr.abs _section_cstart, $3  }
0xc0: {  	[dreg:$0x1] =	wrdreg $0xFFFFFFFF  }
0xc1: {  	_ =	task.clear_ibuf [dreg:s7], $0x2FFFF;
	_ =	strace $0x9FFFFFFF  }
0xc2: {  	(tm) =	ssettm $0x7FFFFFFF  }
0xc3: {  	_ =	shalt  }
tec
execute0_lowered:
.L_overlay_start_1:
0x0: {  	(tag) =	ssettag $0x1  }
0x1: {  	s1 =	srdreg.scid  }
0x2: {  	s3 =	rddreg [dreg:$0x0];
	s0 =	stileid.u32  }
0x3: {  	s5 =	rddreg [dreg:$0x1];
	s2 =	simm.s32 $0x0;
	s8 =	simm.s32 $0x80  }
0x4: {  	s26 =	simm.s32 $0x880;
	s9 =	simm.s32 $0x1080;
	s10 =	simm.s32 $0x1880  }
0x5: {  	s11 =	simm.s32 $0x2080;
	s12 =	simm.s32 $0x2880;
	s13 =	simm.s32 $0x3080  }
0x6: {  	s14 =	simm.s32 $0x3880;
	s15 =	simm.s32 $0x4080;
	s16 =	simm.s32 $0x4880  }
0x7: {  	s17 =	simm.s32 $0x5080;
	s18 =	simm.s32 $0x5880;
	s19 =	simm.s32 $0x6080  }
0x8: {  	s20 =	simm.s32 $0x6880;
	s21 =	simm.s32 $0x7080;
	s22 =	simm.s32 $0x7880  }
0x9: {  	s23 =	simm.s32 $0x8080;
	s24 =	simm.s32 $0x8880;
	s25 =	simm.s32 $0x9080  }
0xa: {  	s28 =	simm.s32 $0xA080;
	s29 =	simm.s32 $0xA880;
	s30 =	simm.s32 $0xB080  }
0xb: {  	s31 =	simm.s32 $0xB880;
	s1 =	sand.u32 $0x1, s1;
	[smem:$0x7FF] =	sst s2  }
0xc: {  	s4 =	sshll.u32 s0, $0x4;
	s6 =	sshll.u32 s1, $0x3;
	_ =	strace $0x80000047  }
0xd: {  	s1 =	ssub.s32 $0x2, s1;
	[dreg:$0x5] =	wrdreg s26;
	s4 =	sor.u32 s6, s4  }
0xe: {  	s7 =	sshrl.u32 s1, $0x1;
	s6 =	sadd.s32 s4, s5;
	s4 =	smul.u32 $0x300, s4  }
0xf: {  	s26 =	simm.s32 $0x9880;
	s1 =	ssub.s32 s1, s7;
	s6 =	sadd.s32 $0x11200, s6  }
0x10: {  	v2 =	vlaneseq.u32;
	s7 =	simm.s32 $0x2;
	[dreg:$0x3] =	wrdreg s6;
	s4 =	sadd.s32 s3, s4  }
0x11: {  	vm0 =	vmmov $0xffff;
	v1 =	vshrl.u32 v2, $0x3;
	s3 =	sadd.s32 $0x11400, s5;
	s6 =	smax.u32 s1, $0x1;
	s1 =	simm.s32 $0x1  }
0x12: {  	v0 =	vand.u32 $0x7, v2;
	v2 =	vor.u32 $0x8, v2;
	v1 =	vmul.u32 $0x8, v1;
	[dreg:$0x4] =	wrdreg s4;
	s4 =	sadd.s32 $0x11500, s5;
	s5 =	sadd.s32 $0x11600, s5  }
.LBB2_1:
0x13: {  	s0 =	rddreg [dreg:$0x3]  }
0x14: {  	[tilespmem:s2], [sflag:$0x2] =	stream.linear.gather [hbm4b:s0+s2], $0x40, $0x38;
	[tilespmem:$0xC080] =	vst v63  }
0x15: {  	_ =	swait.ge [sflag:s7], $0x40  }
0x16: {  	[sflag:s7] =	ssyncset.done $0x0  }
0x17: {  	s0 =	rddreg [dreg:$0x4];
	[sflag:s7] =	ssyncadd.s32 $0xFFFFFFC0  }
0x18: {  	[tilespmem:s8], [sflag:$0x2] =	stream.linear.gather [hbm4b:s0+s2], $0xC000, $0x38;
	[tilespmem:$0xC080] =	vst v63  }
0x19: {  	_ =	swait.ge [sflag:s7], $0xC000  }
0x1a: {  	[sflag:s7] =	ssyncset.done $0x0  }
0x1b: {  	[sflag:s7] =	ssyncadd.s32 $0xFFFF4000  }
0x1c: {  	v3 =	vld [tilespmem:$0x0];
	_ =	sdelay $0x4  }
0x1d: {  	v4 =	vshrl.u32 v3, $0x3  }
0x1e: {  	v4 =	vmul.u32 $0x30, v4  }
0x1f: {  	v3 =	vand.u32 $0x7, v3  }
0x20: {  	v3 =	vor.u32 v3, v4  }
0x21: {  	v4 =	vperm.xlane v3, v0;
	_ =	sdelay $0x1  }
0x22: {  	v4 =	vadd.s32 v1, v4;
	_ =	sdelay $0x3  }
0x23: {  	v3 =	vperm.xlane v3, v2  }
0x24: {  	[hbm4b:s3+s2] =	stream.indirect_vreg.scatter [tilespmem:s8], [sflag:$0x1], $0x80, v4, vm0, $0xb8;
	[tilespmem:$0xC080] =	vst v63  }
0x25: {  	s0 =	rddreg [dreg:$0x5];
	v3 =	vadd.s32 v1, v3  }
0x26: {  	[hbm4b:s4+s2] =	stream.indirect_vreg.scatter [tilespmem:s0], [sflag:$0x1], $0x80, v4, vm0, $0xb8;
	[tilespmem:$0xC080] =	vst v63  }
0x27: {  	_ = 	snop  }
0x28: {  	[hbm4b:s5+s2] =	stream.indirect_vreg.scatter [tilespmem:s9], [sflag:$0x1], $0x80, v4, vm0, $0xb8;
	[tilespmem:$0xC080] =	vst v63  }
0x29: {  	_ = 	snop  }
0x2a: {  	[hbm4b:s3+s2] =	stream.indirect_vreg.scatter [tilespmem:s10], [sflag:$0x1], $0x80, v3, vm0, $0xb8;
	[tilespmem:$0xC080] =	vst v63  }
0x2b: {  	_ = 	snop  }
0x2c: {  	[hbm4b:s4+s2] =	stream.indirect_vreg.scatter [tilespmem:s11], [sflag:$0x1], $0x80, v3, vm0, $0xb8;
	[tilespmem:$0xC080] =	vst v63  }
0x2d: {  	_ = 	snop  }
0x2e: {  	[hbm4b:s5+s2] =	stream.indirect_vreg.scatter [tilespmem:s12], [sflag:$0x1], $0x80, v3, vm0, $0xb8;
	[tilespmem:$0xC080] =	vst v63  }
0x2f: {  	v3 =	vld [tilespmem:$0x10];
	_ =	sdelay $0x4  }
0x30: {  	v61 =	vshrl.u32 v3, $0x3  }
0x31: {  	v4 =	vmul.u32 $0x30, v61  }
0x32: {  	v3 =	vand.u32 $0x7, v3  }
0x33: {  	v3 =	vor.u32 v3, v4  }
0x34: {  	v4 =	vperm.xlane v3, v0;
	_ =	sdelay $0x1  }
0x35: {  	v4 =	vadd.s32 v1, v4;
	_ =	sdelay $0x3  }
0x36: {  	v3 =	vperm.xlane v3, v2  }
0x37: {  	[hbm4b:s3+s2] =	stream.indirect_vreg.scatter [tilespmem:s13], [sflag:$0x1], $0x80, v4, vm0, $0xb8;
	[tilespmem:$0xC080] =	vst v63  }
0x38: {  	v3 =	vadd.s32 v1, v3  }
0x39: {  	[hbm4b:s4+s2] =	stream.indirect_vreg.scatter [tilespmem:s14], [sflag:$0x1], $0x80, v4, vm0, $0xb8;
	[tilespmem:$0xC080] =	vst v63  }
0x3a: {  	_ = 	snop  }
0x3b: {  	[hbm4b:s5+s2] =	stream.indirect_vreg.scatter [tilespmem:s15], [sflag:$0x1], $0x80, v4, vm0, $0xb8;
	[tilespmem:$0xC080] =	vst v63  }
0x3c: {  	_ = 	snop  }
0x3d: {  	[hbm4b:s3+s2] =	stream.indirect_vreg.scatter [tilespmem:s16], [sflag:$0x1], $0x80, v3, vm0, $0xb8;
	[tilespmem:$0xC080] =	vst v63  }
0x3e: {  	_ = 	snop  }
0x3f: {  	[hbm4b:s4+s2] =	stream.indirect_vreg.scatter [tilespmem:s17], [sflag:$0x1], $0x80, v3, vm0, $0xb8;
	[tilespmem:$0xC080] =	vst v63  }
0x40: {  	_ = 	snop  }
0x41: {  	[hbm4b:s5+s2] =	stream.indirect_vreg.scatter [tilespmem:s18], [sflag:$0x1], $0x80, v3, vm0, $0xb8;
	[tilespmem:$0xC080] =	vst v63  }
0x42: {  	v3 =	vld [tilespmem:$0x20];
	_ =	sdelay $0x4  }
0x43: {  	v62 =	vshrl.u32 v3, $0x3  }
0x44: {  	v4 =	vmul.u32 $0x30, v62  }
0x45: {  	v3 =	vand.u32 $0x7, v3  }
0x46: {  	v3 =	vor.u32 v3, v4  }
0x47: {  	v4 =	vperm.xlane v3, v0;
	_ =	sdelay $0x1  }
0x48: {  	v4 =	vadd.s32 v1, v4;
	_ =	sdelay $0x3  }
0x49: {  	v3 =	vperm.xlane v3, v2  }
0x4a: {  	[hbm4b:s3+s2] =	stream.indirect_vreg.scatter [tilespmem:s19], [sflag:$0x1], $0x80, v4, vm0, $0xb8;
	[tilespmem:$0xC080] =	vst v63  }
0x4b: {  	v3 =	vadd.s32 v1, v3  }
0x4c: {  	[hbm4b:s4+s2] =	stream.indirect_vreg.scatter [tilespmem:s20], [sflag:$0x1], $0x80, v4, vm0, $0xb8;
	[tilespmem:$0xC080] =	vst v63  }
0x4d: {  	_ = 	snop  }
0x4e: {  	[hbm4b:s5+s2] =	stream.indirect_vreg.scatter [tilespmem:s21], [sflag:$0x1], $0x80, v4, vm0, $0xb8;
	[tilespmem:$0xC080] =	vst v63  }
0x4f: {  	_ = 	snop  }
0x50: {  	[hbm4b:s3+s2] =	stream.indirect_vreg.scatter [tilespmem:s22], [sflag:$0x1], $0x80, v3, vm0, $0xb8;
	[tilespmem:$0xC080] =	vst v63  }
0x51: {  	_ = 	snop  }
0x52: {  	[hbm4b:s4+s2] =	stream.indirect_vreg.scatter [tilespmem:s23], [sflag:$0x1], $0x80, v3, vm0, $0xb8;
	[tilespmem:$0xC080] =	vst v63  }
0x53: {  	_ = 	snop  }
0x54: {  	[hbm4b:s5+s2] =	stream.indirect_vreg.scatter [tilespmem:s24], [sflag:$0x1], $0x80, v3, vm0, $0xb8;
	[tilespmem:$0xC080] =	vst v63  }
0x55: {  	v3 =	vld [tilespmem:$0x30];
	_ =	sdelay $0x4  }
0x56: {  	v63 =	vshrl.u32 v3, $0x3  }
0x57: {  	v4 =	vmul.u32 $0x30, v63  }
0x58: {  	v3 =	vand.u32 $0x7, v3  }
0x59: {  	v3 =	vor.u32 v3, v4  }
0x5a: {  	v4 =	vperm.xlane v3, v0;
	_ =	sdelay $0x1  }
0x5b: {  	v4 =	vadd.s32 v1, v4;
	_ =	sdelay $0x3  }
0x5c: {  	v3 =	vperm.xlane v3, v2  }
0x5d: {  	[hbm4b:s3+s2] =	stream.indirect_vreg.scatter [tilespmem:s25], [sflag:$0x1], $0x80, v4, vm0, $0xb8;
	[tilespmem:$0xC080] =	vst v63  }
0x5e: {  	v3 =	vadd.s32 v1, v3  }
0x5f: {  	[hbm4b:s4+s2] =	stream.indirect_vreg.scatter [tilespmem:s26], [sflag:$0x1], $0x80, v4, vm0, $0xb8;
	[tilespmem:$0xC080] =	vst v63  }
0x60: {  	_ = 	snop  }
0x61: {  	[hbm4b:s5+s2] =	stream.indirect_vreg.scatter [tilespmem:s28], [sflag:$0x1], $0x80, v4, vm0, $0xb8;
	[tilespmem:$0xC080] =	vst v63  }
0x62: {  	_ = 	snop  }
0x63: {  	[hbm4b:s3+s2] =	stream.indirect_vreg.scatter [tilespmem:s29], [sflag:$0x1], $0x80, v3, vm0, $0xb8;
	[tilespmem:$0xC080] =	vst v63  }
0x64: {  	p0 =	sne.s32 s6, $0x1  }
0x65: {  	[hbm4b:s4+s2] =	stream.indirect_vreg.scatter [tilespmem:s30], [sflag:$0x1], $0x80, v3, vm0, $0xb8;
	[tilespmem:$0xC080] =	vst v63  }
.Ltmp0:
0x66: {  	_ = 	snop;
	(pc) =	sbr.rel @p0 .LBB2_1-.Ltmp0, $4  }
0x67: {  	[hbm4b:s5+s2] =	stream.indirect_vreg.scatter [tilespmem:s31], [sflag:$0x1], $0x80, v3, vm0, $0xb8;
	[tilespmem:$0xC080] =	vst v63  }
0x68: {  	_ =	swait.ge [sflag:s1], $0xC000  }
0x69: {  	[sflag:s1] =	ssyncset.done $0x0  }
0x6a: {  	s6 =	sadd.s32 $0xFFFFFFFF, s6;
	[sflag:s1] =	ssyncadd.s32 $0xFFFF4000  }
0x6b: {  	_ =	sfence.sel $0x180000  }
0x6c: {  	[bflag:$0x0] =	sbarrier.arrive $0xFFFF  }
0x6d: {  	_ =	strace $0x90000047  }
0x6e: {  	s0 =	stileid.u32;
	[bflag:$0x2] =	sbarrier.arrive $0xFFFF  }
0x6f: {  	p0 =	sne.s32 s0, $0x0;
	s0 =	rddreg [dreg:$0x2]  }
0x70: {  	s0 =	sadd.s32 @!p0 $0x100000, s0  }
0x71: {  	[sflag:s0] =	ssyncadd.tile.s32 @!p0 $0x1;
	_ =	shalt  }
.Lfunc_end2:
_tile_overlayer_lowered:
.L_overlay_start_2:
0x72: {  	(tag) =	ssettag $0x2  }
0x73: {  	s0 =	rddreg [dreg:$0x0];
	s2 =	stileid.u32  }
0x74: {  	s1 =	rddreg [dreg:$0x1];
	p0 =	sne.s32 s2, $0x0  }
0x75: {  	s3 =	rddreg [dreg:$0x2];
	[bflag:$0x3] =	sbarrier.arrive $0xFFFF;
	s2 =	simm.s32 @!p0 $0x1C02  }
0x76: {  	[timem:s3], [sflag:s2] =	dma.local @!p0 [hbm:s0], s1  }
0x77: {  	s0 =	simm.s32 @!p0 $0x2  }
0x78: {  	_ =	swait.ge @!p0 [sflag:s0], s1  }
0x79: {  	s1 =	ssub.s32 @!p0 $0x0, s1;
	[sflag:s0] =	ssyncset.done @!p0 $0x0  }
0x7a: {  	[sflag:s0] =	ssyncadd.s32 @!p0 s1  }
0x7b: {  	[bflag:$0x3] =	sbarrier.arrive $0xFFFF  }
0x7c: {  	_ =	shalt  }

// kernel: kernel.9.cloned.1.call-start
scs
__scs_entry_jumppad:
0x0: {  	(pc) =	sbr.rel $0x88, $3  }
0x1: {  	(tag) =	ssettag $0x0;
	lr =	simm.s32 $0x1  }
0x2: {  	[smem:$0x3F9D] =	sst lr;
	_ =	strace $0xD0000000  }
0x3: {  	_ = 	snop  }
0x4: {  	_ = 	snop  }
0x5: {  	_ = 	snop  }
0x6: {  	_ = 	snop  }
0x7: {  	_ = 	snop  }
__scs_overlays_trampoline_lowered:
0x8: {  	[smem:$0x3FAC] =	sst s0  }
0x9: {  	[smem:$0x3FAD] =	sst s1  }
0xa: {  	[smem:$0x3FAE] =	sst s2  }
0xb: {  	[smem:$0x3FAF] =	sst s3  }
0xc: {  	[smem:$0x3FB0] =	sst s4  }
0xd: {  	[smem:$0x3FB1] =	sst s5  }
0xe: {  	[smem:$0x3FB2] =	sst s6  }
0xf: {  	[smem:$0x3FB3] =	sst s7  }
0x10: {  	[smem:$0x3FB4] =	sst s8  }
0x11: {  	[smem:$0x3FB5] =	sst s9;
	s0 =	simm.s32 @!p0 $0x0  }
0x12: {  	s1 =	sld [smem:$0x3F9B];
	s0 =	simm.s32 @p0 $0x1  }
0x13: {  	[smem:$0x3FB6] =	sst s0;
	s0 =	simm.s32 @!p1 $0x0  }
0x14: {  	s2 =	sld [smem:$0x3F9A];
	s0 =	simm.s32 @p1 $0x1  }
0x15: {  	[smem:$0x3FB7] =	sst s0;
	s0 =	simm.s32 @!p2 $0x0  }
0x16: {  	s3 =	sld [smem:$0x3FDB];
	s0 =	simm.s32 @p2 $0x1  }
0x17: {  	s4 =	simm.s32 $0x1BF5;
	[smem:$0x3FB9] =	sst s0  }
0x18: {  	s0 =	sld [smem:$0x3F9C];
	_ =	swait.ge [sflag:s4], $0x0  }
0x19: {  	s7 =	sld [smem:$0x3F9D]  }
0x1a: {  	s8 =	sadd.s32 $0xFFFFE003, lr  }
0x1b: {  	s9 =	sadd.s32 $0xFFFFFEF7, lr;
	s5 =	simm.s32 $0xFFFFFFFF;
	p2 =	slt.u32 s8, $0xFFFFF086  }
0x1c: {  	p1 =	slt.u32 s9, $0xF7A;
	s5 =	simm.s32 @!p2 $0x0  }
0x1d: {  	s5 =	simm.s32 @p1 $0x1;
	p0 =	seq.s32 s7, s2  }
0x1e: {  	s7 =	smul.u32 @!p0 $0xF7A, s2;
	p2 =	seq.s32 @!p0 s5, $0x0  }
0x1f: {  	s9 =	smul.u32 $0xF7A, s1;
	s8 =	simm.s32 @!p0 $0x1BF5;
	p2 =	por !p2, p0  }
0x20: {  	[sflag:s8] =	ssyncset.s32 @!p0 $0xFFFFF086;
	s6 =	sadd.s32 @!p0 s3, s7;
	s7 =	simm.s32 @!p0 $0x108  }
0x21: {  	s3 =	sadd.s32 s3, s9;
	s6 =	sadd.s32 @!p0 $0x88, s6;
	s7 =	simm.s32 @p2 $0x1082  }
0x22: {  	[simem:s7], [sflag:s8] =	dma.local @!p0 [hbm:s6], $0xF7A  }
0x23: {  	s9 =	sor.u32 $0xD0000000, s2;
	s6 =	simm.s32 $0x108;
	_ =	swait.ge @!p0 [sflag:s8], $0x0  }
0x24: {  	s3 =	sadd.s32 $0x88, s3;
	s6 =	simm.s32 @!p1 $0x1082;
	[sflag:s4] =	ssyncset.s32 $0xFFFFF086  }
0x25: {  	[simem:s6], [sflag:s4] =	dma.local [hbm:s3], $0xF7A  }
0x26: {  	[smem:$0x3F9D] =	sst s1;
	(tag) =	ssettag s2;
	_ =	strace s9  }
0x27: {  	s1 =	sld [smem:$0x3FAD]  }
0x28: {  	s2 =	sld [smem:$0x3FAE]  }
0x29: {  	s4 =	sld [smem:$0x3FB0]  }
0x2a: {  	p0 =	seq.s32 s5, $0x0;
	s5 =	sld [smem:$0x3FB1]  }
0x2b: {  	s6 =	sld [smem:$0x3FB2]  }
0x2c: {  	s7 =	sld [smem:$0x3FB3]  }
0x2d: {  	s3 =	simm.s32 $0x108;
	s8 =	sld [smem:$0x3FB4]  }
0x2e: {  	s3 =	simm.s32 @!p0 $0x1082;
	s9 =	sld [smem:$0x3FB5]  }
0x2f: {  	lr =	sadd.s32 s0, s3;
	s0 =	sld [smem:$0x3FAC]  }
0x30: {  	s3 =	sld [smem:$0x3FAF]  }
0x31: {  	[smem:$0x3FB8] =	sst s10  }
0x32: {  	s10 =	sld [smem:$0x3FB6];
	_ =	sdelay $0x3  }
0x33: {  	p0 =	seq.s32 s10, $0x1;
	s10 =	sld [smem:$0x3FB8];
	_ =	sdelay $0x3  }
0x34: {  	[smem:$0x3FB8] =	sst s10  }
0x35: {  	s10 =	sld [smem:$0x3FB7];
	_ =	sdelay $0x3  }
0x36: {  	p1 =	seq.s32 s10, $0x1;
	s10 =	sld [smem:$0x3FB8];
	_ =	sdelay $0x3  }
0x37: {  	[smem:$0x3FB8] =	sst s10  }
0x38: {  	s10 =	sld [smem:$0x3FB9]  }
0x39: {  	_ = 	snop;
	(pc) =	sbr.ind lr, $3  }
0x3a: {  	_ = 	snop  }
0x3b: {  	_ = 	snop  }
0x3c: {  	p2 =	seq.s32 s10, $0x1;
	s10 =	sld [smem:$0x3FB8]  }
0x3d: {  	_ =	shalt  }
0x3e: {  	_ =	shalt  }
0x3f: {  	_ =	shalt  }
0x40: {  	_ =	shalt  }
0x41: {  	_ =	shalt  }
0x42: {  	_ =	shalt  }
0x43: {  	_ =	shalt  }
0x44: {  	_ =	shalt  }
0x45: {  	_ =	shalt  }
0x46: {  	_ =	shalt  }
0x47: {  	_ =	shalt  }
0x48: {  	_ =	shalt  }
0x49: {  	_ =	shalt  }
0x4a: {  	_ =	shalt  }
0x4b: {  	_ =	shalt  }
0x4c: {  	_ =	shalt  }
0x4d: {  	_ =	shalt  }
0x4e: {  	_ =	shalt  }
0x4f: {  	_ =	shalt  }
0x50: {  	_ =	shalt  }
0x51: {  	_ =	shalt  }
0x52: {  	_ =	shalt  }
0x53: {  	_ =	shalt  }
0x54: {  	_ =	shalt  }
0x55: {  	_ =	shalt  }
0x56: {  	_ =	shalt  }
0x57: {  	_ =	shalt  }
0x58: {  	_ =	shalt  }
0x59: {  	_ =	shalt  }
0x5a: {  	_ =	shalt  }
0x5b: {  	_ =	shalt  }
0x5c: {  	_ =	shalt  }
0x5d: {  	_ =	shalt  }
0x5e: {  	_ =	shalt  }
0x5f: {  	_ =	shalt  }
0x60: {  	_ =	shalt  }
0x61: {  	_ =	shalt  }
0x62: {  	_ =	shalt  }
0x63: {  	_ =	shalt  }
0x64: {  	_ =	shalt  }
0x65: {  	_ =	shalt  }
0x66: {  	_ =	shalt  }
0x67: {  	_ =	shalt  }
0x68: {  	_ =	shalt  }
0x69: {  	_ =	shalt  }
0x6a: {  	_ =	shalt  }
0x6b: {  	_ =	shalt  }
0x6c: {  	_ =	shalt  }
0x6d: {  	_ =	shalt  }
0x6e: {  	_ =	shalt  }
0x6f: {  	_ =	shalt  }
0x70: {  	_ =	shalt  }
0x71: {  	_ =	shalt  }
0x72: {  	_ =	shalt  }
0x73: {  	_ =	shalt  }
0x74: {  	_ =	shalt  }
0x75: {  	_ =	shalt  }
0x76: {  	_ =	shalt  }
0x77: {  	_ =	shalt  }
0x78: {  	_ =	shalt  }
0x79: {  	_ =	shalt  }
0x7a: {  	_ =	shalt  }
0x7b: {  	_ =	shalt  }
0x7c: {  	_ =	shalt  }
0x7d: {  	_ =	shalt  }
0x7e: {  	_ =	shalt  }
0x7f: {  	_ =	shalt  }
0x80: {  	_ =	shalt  }
0x81: {  	_ =	shalt  }
0x82: {  	_ =	shalt  }
0x83: {  	_ =	shalt  }
0x84: {  	_ =	shalt  }
0x85: {  	_ =	shalt  }
0x86: {  	_ =	shalt  }
0x87: {  	_ =	shalt  }
.Lfunc_end0:
.L_simem_size_0:
called_computation.1_lowered:
.L_overlay_start_0:
0x88: {  	s2 =	sld [smem:$0x3FD9]  }
0x89: {  	s3 =	sld [smem:$0x3FFE];
	_ =	sdelay $0x1  }
0x8a: {  	s1 =	srdreg.scid  }
0x8b: {  	s0 =	sand.u32 $0x1, s1  }
0x8c: {  	s14 =	sshll.u32 s0, $0xA;
	s2 =	sadd.s32 s3, s2  }
0x8d: {  	s2 =	sadd.s32 s2, s14  }
0x8e: {  	[smem:$0x3FC4] =	sst s2  }
0x8f: {  	_ = 	snop  }
0x90: {  	s2 =	sld [smem:$0x3FD0];
	_ =	sdelay $0x2  }
0x91: {  	s15 =	simm.s32 $0xA;
	s4 =	simm.s32 $0x10  }
0x92: {  	[smem:s4], [sflag:s15] =	dma.local [hbm:s2], $0x1  }
0x93: {  	_ =	swait.eq [sflag:s15], $0x1  }
0x94: {  	[sflag:s15] =	ssyncset.done $0x0  }
0x95: {  	[sflag:s15] =	ssyncadd.s32 $0xFFFFFFFF  }
0x96: {  	s16 =	sld [smem:$0x10];
	(tm) =	ssettm $0x1  }
0x97: {  	s17 =	sld [smem:$0x3FFB];
	_ =	sdelay $0x3  }
0x98: {  	_ =	strace s17  }
0x99: {  	s3 =	sld [smem:$0x3FFC];
	_ =	sdelay $0x3  }
0x9a: {  	_ =	strace s3  }
0x9b: {  	s3 =	sld [smem:$0x3FFD];
	_ =	sdelay $0x3  }
0x9c: {  	_ =	strace s3  }
0x9d: {  	_ =	strace $0x8FFFFFFF  }
0x9e: {  	s18 =	sld [smem:$0x3FDB];
	_ =	sdelay $0x1  }
0x9f: {  	s19 =	simm.s32 $_scs_section_size  }
0xa0: {  	s5 =	simm.s32 $_size__tile_overlayer_lowered;
	s6 =	simm.s32 $_tile_overlayer_lowered  }
0xa1: {  	s22 =	simm.s32 $0x1BFF;
	s21 =	sshll.u32 s6, $0x1;
	s3 =	sadd.s32 s19, s18  }
0xa2: {  	s7 =	simm.s32 $0x0;
	s20 =	sshll.u32 s5, $0x1;
	s5 =	sadd.s32 s21, s3  }
0xa3: {  	[timem:s7], [sflag:s22] =	dma.local [hbm:s5], s20  }
0xa4: {  	_ =	swait.ge [sflag:s22], s20  }
0xa5: {  	s4 =	ssub.s32 $0x0, s20;
	[sflag:s22] =	ssyncset.done $0x0  }
0xa6: {  	[sflag:s22] =	ssyncadd.s32 s4;
	_ =	sdelay $0x1  }
0xa7: {  	s23 =	simm.s32 $0x1B8B  }
0xa8: {  	_ =	swait.ge [sflag:s23], $0x1  }
0xa9: {  	[sflag:s23] =	ssyncset.done $0x0  }
0xaa: {  	s25 =	simm.s32 $0x1B8E;
	s24 =	sld [smem:$0x3FFE];
	[sflag:s23] =	ssyncadd.s32 $0xFFFFFFFF  }
0xab: {  	s26 =	simm.s32 $execute0_lowered;
	[smem:$0x3FD2] =	sst s25  }
0xac: {  	s5 =	sshll.u32 s26, $0x1;
	_ =	strace $0x80000049;
	[dreg:$0x1] =	wrdreg $0xFFFFFFFF  }
0xad: {  	s28 =	simm.s32 $_size_execute0_lowered;
	s3 =	sadd.s32 s3, s5;
	[dreg:$0x0] =	wrdreg $0x0  }
0xae: {  	s5 =	sshll.u32 s28, $0x1;
	[dreg:$0x2] =	wrdreg s3  }
0xaf: {  	[dreg:$0x3] =	wrdreg s5  }
0xb0: {  	[dreg:$0x4] =	wrdreg $0xC0  }
0xb1: {  	_ =	task [dreg:s7], $0x5FFFF  }
0xb2: {  	[dreg:$0x1] =	wrdreg $0xFFFFFFFF  }
0xb3: {  	[dreg:$0x0] =	wrdreg $0x60  }
0xb4: {  	[dreg:$0x2] =	wrdreg s24  }
0xb5: {  	[dreg:$0x3] =	wrdreg s16  }
0xb6: {  	[dreg:$0x4] =	wrdreg $0x9  }
0xb7: {  	_ =	task.clear_ibuf [dreg:s7], $0x5FFFF;
	_ =	strace $0x90000049  }
0xb8: {  	s29 =	simm.s32 $0x9;
	_ =	strace $0x8000004B  }
0xb9: {  	_ =	swait.ge [sflag:s29], $0x1  }
0xba: {  	[sflag:s29] =	ssyncadd.s32 $0xFFFFFFFF  }
0xbb: {  	_ =	strace $0x9000004B  }
0xbc: {  	_ =	sfence  }
0xbd: {  	s30 =	sld [smem:$0x0];
	_ =	sdelay $0x2  }
0xbe: {  	s31 =	sshll.u32 s1, $0xD;
	s1 =	sshrl.u32 s1, $0x2  }
0xbf: {  	s3 =	sand.u32 $0x4000, s31;
	s1 =	sadd.s32 s1, s30  }
0xc0: {  	s0 =	sor.u32 s3, s0;
	s1 =	sshll.u32 s1, $0x11  }
0xc1: {  	s0 =	sor.u32 s1, s0  }
0xc2: {  	s0 =	sadd.s32 $0x8F2B, s0  }
0xc3: {  	[sflag:s0] =	ssyncadd.remote.s32 $0x1  }
0xc4: {  	_ =	sfence.sel $0xFFFF  }
0xc5: {  	[dreg:$0x0] =	wrdreg $0xFFFFFFFF;
	(pc) =	sbr.abs _section_cstart, $3  }
0xc6: {  	[dreg:$0x1] =	wrdreg $0xFFFFFFFF  }
0xc7: {  	_ =	task.clear_ibuf [dreg:s7], $0x2FFFF;
	_ =	strace $0x9FFFFFFF  }
0xc8: {  	(tm) =	ssettm $0x7FFFFFFF  }
0xc9: {  	_ =	shalt  }
tec
execute0_lowered:
.L_overlay_start_1:
0x0: {  	(tag) =	ssettag $0x1  }
0x1: {  	s0 =	rddreg [dreg:$0x0]  }
0x2: {  	s1 =	rddreg [dreg:$0x1]  }
0x3: {  	s3 =	srdreg.scid;
	s2 =	simm.s32 $0x0;
	s5 =	stileid.u32  }
0x4: {  	s10 =	simm.s32 $0x2;
	s11 =	simm.s32 $0x80;
	s21 =	simm.s32 $0x5080  }
0x5: {  	s22 =	simm.s32 $0x5880;
	s23 =	simm.s32 $0x6080;
	s28 =	simm.s32 $0x8080  }
0x6: {  	s29 =	simm.s32 $0x8880;
	s30 =	simm.s32 $0x9080;
	s31 =	simm.s32 $0x9880  }
0x7: {  	s12 =	simm.s32 $0xB080;
	s13 =	simm.s32 $0xB880;
	s14 =	simm.s32 $0x1  }
0x8: {  	s15 =	simm.s32 $0x0;
	s4 =	sand.u32 $0x1, s3;
	[smem:$0x7FF] =	sst s2  }
0x9: {  	s24 =	sshll.u32 s5, $0x7;
	s3 =	sadd.s32 $0x71400, s0;
	s25 =	sshll.u32 s4, $0x6  }
0xa: {  	_ =	strace $0x8000004A;
	s4 =	ssub.s32 $0x2, s4;
	s5 =	sor.u32 s25, s24  }
0xb: {  	s8 =	sshrl.u32 s4, $0x1;
	s24 =	simm.s32 $0x6880;
	s25 =	simm.s32 $0x7080  }
0xc: {  	s6 =	sshrl.u32 s5, $0x3;
	s5 =	sshll.u32 s5, $0x4;
	s9 =	ssub.s32 s4, s8  }
0xd: {  	s7 =	sadd.s32 s6, s0;
	s5 =	sadd.s32 s5, s0;
	s26 =	smul.u32 $0x300, s6  }
0xe: {  	v2 =	vlaneseq.u32;
	s6 =	sadd.s32 $0x71500, s0;
	s9 =	smax.u32 s9, $0x1;
	s4 =	sadd.s32 $0x11200, s7  }
0xf: {  	vm0 =	vmmov $0xffff;
	v1 =	vshrl.u32 v2, $0x3;
	s5 =	sadd.s32 $0x1200, s5;
	s7 =	sadd.s32 $0x71600, s0;
	s0 =	simm.s32 $0xA080  }
0x10: {  	v0 =	vand.u32 $0x7, v2;
	v2 =	vor.u32 $0x8, v2;
	v1 =	vmul.u32 $0x8, v1;
	s8 =	sadd.s32 s1, s26;
	s26 =	simm.s32 $0x7880;
	s1 =	simm.s32 $0xA880  }
.LBB2_1:
0x11: {  	[tilespmem:s2], [sflag:$0x2] =	stream.linear.gather [hbm4b:s4+s2], $0x40, $0x38;
	[tilespmem:$0xE080] =	vst v63  }
0x12: {  	_ =	swait.ge [sflag:s10], $0x40  }
0x13: {  	[sflag:s10] =	ssyncset.done $0x0  }
0x14: {  	s16 =	simm.s32 $0xC080;
	[sflag:s10] =	ssyncadd.s32 $0xFFFFFFC0  }
0x15: {  	[tilespmem:s16], [sflag:$0x2] =	stream.linear.gather [hbm4b:s5+s2], $0x2000, $0x38;
	[tilespmem:$0xE080] =	vst v63  }
0x16: {  	_ =	swait.ge [sflag:s10], $0x2000  }
0x17: {  	[sflag:s10] =	ssyncset.done $0x0  }
0x18: {  	[sflag:s10] =	ssyncadd.s32 $0xFFFFE000  }
0x19: {  	v3 =	vld [tilespmem:$0x0];
	_ =	sdelay $0x4  }
0x1a: {  	v4 =	vshrl.u32 v3, $0x3  }
0x1b: {  	v4 =	vmul.u32 $0x30, v4  }
0x1c: {  	v3 =	vand.u32 $0x7, v3  }
0x1d: {  	v3 =	vor.u32 v3, v4  }
0x1e: {  	v4 =	vperm.xlane v3, v0;
	_ =	sdelay $0x1  }
0x1f: {  	v4 =	vadd.s32 v1, v4;
	_ =	sdelay $0x3  }
0x20: {  	v3 =	vperm.xlane v3, v2  }
0x21: {  	[tilespmem:s11], [sflag:$0x1] =	stream.indirect_vreg.gather [hbm4b:s3+s2], $0x80, v4, vm0, $0xb8;
	[tilespmem:$0xE080] =	vst v63  }
0x22: {  	s17 =	simm.s32 $0x880;
	v3 =	vadd.s32 v1, v3  }
0x23: {  	[tilespmem:s17], [sflag:$0x1] =	stream.indirect_vreg.gather [hbm4b:s6+s2], $0x80, v4, vm0, $0xb8;
	[tilespmem:$0xE080] =	vst v63  }
0x24: {  	s19 =	simm.s32 $0x1080  }
0x25: {  	[tilespmem:s19], [sflag:$0x1] =	stream.indirect_vreg.gather [hbm4b:s7+s2], $0x80, v4, vm0, $0xb8;
	[tilespmem:$0xE080] =	vst v63  }
0x26: {  	s20 =	simm.s32 $0x1880  }
0x27: {  	[tilespmem:s20], [sflag:$0x1] =	stream.indirect_vreg.gather [hbm4b:s3+s2], $0x80, v3, vm0, $0xb8;
	[tilespmem:$0xE080] =	vst v63  }
0x28: {  	s18 =	simm.s32 $0x2080  }
0x29: {  	[tilespmem:s18], [sflag:$0x1] =	stream.indirect_vreg.gather [hbm4b:s6+s2], $0x80, v3, vm0, $0xb8;
	[tilespmem:$0xE080] =	vst v63  }
0x2a: {  	s19 =	simm.s32 $0x2880  }
0x2b: {  	[tilespmem:s19], [sflag:$0x1] =	stream.indirect_vreg.gather [hbm4b:s7+s2], $0x80, v3, vm0, $0xb8;
	[tilespmem:$0xE080] =	vst v63  }
0x2c: {  	v3 =	vld [tilespmem:$0x10];
	_ =	sdelay $0x4  }
0x2d: {  	v61 =	vshrl.u32 v3, $0x3  }
0x2e: {  	v4 =	vmul.u32 $0x30, v61  }
0x2f: {  	v3 =	vand.u32 $0x7, v3  }
0x30: {  	v3 =	vor.u32 v3, v4  }
0x31: {  	v4 =	vperm.xlane v3, v0;
	_ =	sdelay $0x1  }
0x32: {  	v4 =	vadd.s32 v1, v4;
	_ =	sdelay $0x3  }
0x33: {  	s20 =	simm.s32 $0x3080;
	v3 =	vperm.xlane v3, v2  }
0x34: {  	[tilespmem:s20], [sflag:$0x1] =	stream.indirect_vreg.gather [hbm4b:s3+s2], $0x80, v4, vm0, $0xb8;
	[tilespmem:$0xE080] =	vst v63  }
0x35: {  	s18 =	simm.s32 $0x3880;
	v3 =	vadd.s32 v1, v3  }
0x36: {  	[tilespmem:s18], [sflag:$0x1] =	stream.indirect_vreg.gather [hbm4b:s6+s2], $0x80, v4, vm0, $0xb8;
	[tilespmem:$0xE080] =	vst v63  }
0x37: {  	s19 =	simm.s32 $0x4080  }
0x38: {  	[tilespmem:s19], [sflag:$0x1] =	stream.indirect_vreg.gather [hbm4b:s7+s2], $0x80, v4, vm0, $0xb8;
	[tilespmem:$0xE080] =	vst v63  }
0x39: {  	s20 =	simm.s32 $0x4880  }
0x3a: {  	[tilespmem:s20], [sflag:$0x1] =	stream.indirect_vreg.gather [hbm4b:s3+s2], $0x80, v3, vm0, $0xb8;
	[tilespmem:$0xE080] =	vst v63  }
0x3b: {  	_ = 	snop  }
0x3c: {  	[tilespmem:s21], [sflag:$0x1] =	stream.indirect_vreg.gather [hbm4b:s6+s2], $0x80, v3, vm0, $0xb8;
	[tilespmem:$0xE080] =	vst v63  }
0x3d: {  	_ = 	snop  }
0x3e: {  	[tilespmem:s22], [sflag:$0x1] =	stream.indirect_vreg.gather [hbm4b:s7+s2], $0x80, v3, vm0, $0xb8;
	[tilespmem:$0xE080] =	vst v63  }
0x3f: {  	v3 =	vld [tilespmem:$0x20];
	_ =	sdelay $0x4  }
0x40: {  	v62 =	vshrl.u32 v3, $0x3  }
0x41: {  	v4 =	vmul.u32 $0x30, v62  }
0x42: {  	v3 =	vand.u32 $0x7, v3  }
0x43: {  	v3 =	vor.u32 v3, v4  }
0x44: {  	v4 =	vperm.xlane v3, v0;
	_ =	sdelay $0x1  }
0x45: {  	v4 =	vadd.s32 v1, v4;
	_ =	sdelay $0x3  }
0x46: {  	v3 =	vperm.xlane v3, v2  }
0x47: {  	[tilespmem:s23], [sflag:$0x1] =	stream.indirect_vreg.gather [hbm4b:s3+s2], $0x80, v4, vm0, $0xb8;
	[tilespmem:$0xE080] =	vst v63  }
0x48: {  	v3 =	vadd.s32 v1, v3  }
0x49: {  	[tilespmem:s24], [sflag:$0x1] =	stream.indirect_vreg.gather [hbm4b:s6+s2], $0x80, v4, vm0, $0xb8;
	[tilespmem:$0xE080] =	vst v63  }
0x4a: {  	_ = 	snop  }
0x4b: {  	[tilespmem:s25], [sflag:$0x1] =	stream.indirect_vreg.gather [hbm4b:s7+s2], $0x80, v4, vm0, $0xb8;
	[tilespmem:$0xE080] =	vst v63  }
0x4c: {  	_ = 	snop  }
0x4d: {  	[tilespmem:s26], [sflag:$0x1] =	stream.indirect_vreg.gather [hbm4b:s3+s2], $0x80, v3, vm0, $0xb8;
	[tilespmem:$0xE080] =	vst v63  }
0x4e: {  	_ = 	snop  }
0x4f: {  	[tilespmem:s28], [sflag:$0x1] =	stream.indirect_vreg.gather [hbm4b:s6+s2], $0x80, v3, vm0, $0xb8;
	[tilespmem:$0xE080] =	vst v63  }
0x50: {  	_ = 	snop  }
0x51: {  	[tilespmem:s29], [sflag:$0x1] =	stream.indirect_vreg.gather [hbm4b:s7+s2], $0x80, v3, vm0, $0xb8;
	[tilespmem:$0xE080] =	vst v63  }
0x52: {  	v3 =	vld [tilespmem:$0x30];
	_ =	sdelay $0x4  }
0x53: {  	v63 =	vshrl.u32 v3, $0x3  }
0x54: {  	v4 =	vmul.u32 $0x30, v63  }
0x55: {  	v3 =	vand.u32 $0x7, v3  }
0x56: {  	v3 =	vor.u32 v3, v4  }
0x57: {  	v4 =	vperm.xlane v3, v0;
	_ =	sdelay $0x1  }
0x58: {  	v4 =	vadd.s32 v1, v4;
	_ =	sdelay $0x3  }
0x59: {  	v3 =	vperm.xlane v3, v2  }
0x5a: {  	[tilespmem:s30], [sflag:$0x1] =	stream.indirect_vreg.gather [hbm4b:s3+s2], $0x80, v4, vm0, $0xb8;
	[tilespmem:$0xE080] =	vst v63  }
0x5b: {  	v3 =	vadd.s32 v1, v3  }
0x5c: {  	[tilespmem:s31], [sflag:$0x1] =	stream.indirect_vreg.gather [hbm4b:s6+s2], $0x80, v4, vm0, $0xb8;
	[tilespmem:$0xE080] =	vst v63  }
0x5d: {  	_ = 	snop  }
0x5e: {  	[tilespmem:s0], [sflag:$0x1] =	stream.indirect_vreg.gather [hbm4b:s7+s2], $0x80, v4, vm0, $0xb8;
	[tilespmem:$0xE080] =	vst v63  }
0x5f: {  	_ = 	snop  }
0x60: {  	[tilespmem:s1], [sflag:$0x1] =	stream.indirect_vreg.gather [hbm4b:s3+s2], $0x80, v3, vm0, $0xb8;
	[tilespmem:$0xE080] =	vst v63  }
0x61: {  	_ = 	snop  }
0x62: {  	[tilespmem:s12], [sflag:$0x1] =	stream.indirect_vreg.gather [hbm4b:s6+s2], $0x80, v3, vm0, $0xb8;
	[tilespmem:$0xE080] =	vst v63  }
0x63: {  	_ = 	snop  }
0x64: {  	[tilespmem:s13], [sflag:$0x1] =	stream.indirect_vreg.gather [hbm4b:s7+s2], $0x80, v3, vm0, $0xb8;
	[tilespmem:$0xE080] =	vst v63  }
0x65: {  	_ =	swait.ge [sflag:s14], $0xC000  }
0x66: {  	[sflag:s14] =	ssyncset.done $0x0  }
0x67: {  	s17 =	simm.s32 $0x0;
	s18 =	simm.s32 $0x0;
	[sflag:s14] =	ssyncadd.s32 $0xFFFF4000  }
.LBB2_2:
0x68: {  	s19 =	sshrl.u32 s18, $0x3  }
0x69: {  	s19 =	smul.u32 $0x6000, s19;
	_ =	sdelay $0x1  }
0x6a: {  	s20 =	sand.u32 $0x380, s17;
	s19 =	sshra.s32 s19, $0x2  }
0x6b: {  	v3 =	vld [tilespmem:s16+$0x0];
	s19 =	sor.u32 s20, s19  }
0x6c: {  	v4 =	vld [tilespmem:s19+$0x80]  }
0x6d: {  	v5 =	vld [tilespmem:s19+$0x90]  }
0x6e: {  	v6 =	vld [tilespmem:s19+$0xA0]  }
0x6f: {  	v7 =	vld [tilespmem:s19+$0xB0]  }
0x70: {  	v8 =	vld [tilespmem:s19+$0xC0]  }
0x71: {  	v9 =	vld [tilespmem:s19+$0xD0];
	v4 =	vmul.f32 v4, v3  }
0x72: {  	v10 =	vld [tilespmem:s19+$0xE0];
	v5 =	vmul.f32 v5, v3  }
0x73: {  	v31 =	vld [tilespmem:s19+$0xF0];
	v30 =	vmul.f32 v6, v3;
	[tilespmem:s19+$0x80] =	vst v4  }
0x74: {  	v33 =	vld [tilespmem:s19+$0x480];
	v32 =	vmul.f32 v7, v3;
	[tilespmem:s19+$0x90] =	vst v5  }
0x75: {  	v35 =	vld [tilespmem:s19+$0x490];
	v34 =	vmul.f32 v8, v3;
	[tilespmem:s19+$0xA0] =	vst v30  }
0x76: {  	v37 =	vld [tilespmem:s19+$0x4A0];
	v36 =	vmul.f32 v9, v3;
	[tilespmem:s19+$0xB0] =	vst v32  }
0x77: {  	v39 =	vld [tilespmem:s19+$0x4B0];
	v38 =	vmul.f32 v10, v3;
	[tilespmem:s19+$0xC0] =	vst v34  }
0x78: {  	v41 =	vld [tilespmem:s19+$0x4C0];
	v40 =	vmul.f32 v31, v3;
	[tilespmem:s19+$0xD0] =	vst v36  }
0x79: {  	v43 =	vld [tilespmem:s19+$0x4D0];
	v42 =	vmul.f32 v33, v3;
	[tilespmem:s19+$0xE0] =	vst v38  }
0x7a: {  	v45 =	vld [tilespmem:s19+$0x4E0];
	v44 =	vmul.f32 v35, v3;
	[tilespmem:s19+$0xF0] =	vst v40  }
0x7b: {  	v47 =	vld [tilespmem:s19+$0x4F0];
	v46 =	vmul.f32 v37, v3;
	[tilespmem:s19+$0x480] =	vst v42  }
0x7c: {  	v49 =	vld [tilespmem:s19+$0x880];
	v48 =	vmul.f32 v39, v3;
	[tilespmem:s19+$0x490] =	vst v44  }
0x7d: {  	v51 =	vld [tilespmem:s19+$0x890];
	v50 =	vmul.f32 v41, v3;
	[tilespmem:s19+$0x4A0] =	vst v46  }
0x7e: {  	v53 =	vld [tilespmem:s19+$0x8A0];
	v52 =	vmul.f32 v43, v3;
	[tilespmem:s19+$0x4B0] =	vst v48  }
0x7f: {  	v55 =	vld [tilespmem:s19+$0x8B0];
	v54 =	vmul.f32 v45, v3;
	[tilespmem:s19+$0x4C0] =	vst v50  }
0x80: {  	v57 =	vld [tilespmem:s19+$0x8C0];
	v56 =	vmul.f32 v47, v3;
	[tilespmem:s19+$0x4D0] =	vst v52  }
0x81: {  	v59 =	vld [tilespmem:s19+$0x8D0];
	v58 =	vmul.f32 v49, v3;
	[tilespmem:s19+$0x4E0] =	vst v54  }
0x82: {  	v61 =	vld [tilespmem:s19+$0x8E0];
	v60 =	vmul.f32 v51, v3;
	[tilespmem:s19+$0x4F0] =	vst v56  }
0x83: {  	v63 =	vld [tilespmem:s19+$0x8F0];
	v62 =	vmul.f32 v53, v3;
	[tilespmem:s19+$0x880] =	vst v58  }
0x84: {  	v13 =	vld [tilespmem:s19+$0xC80];
	v12 =	vmul.f32 v55, v3;
	[tilespmem:s19+$0x890] =	vst v60  }
0x85: {  	v15 =	vld [tilespmem:s19+$0xC90];
	v14 =	vmul.f32 v57, v3;
	[tilespmem:s19+$0x8A0] =	vst v62  }
0x86: {  	v17 =	vld [tilespmem:s19+$0xCA0];
	v16 =	vmul.f32 v59, v3;
	[tilespmem:s19+$0x8B0] =	vst v12  }
0x87: {  	v19 =	vld [tilespmem:s19+$0xCB0];
	v18 =	vmul.f32 v61, v3;
	[tilespmem:s19+$0x8C0] =	vst v14  }
0x88: {  	v21 =	vld [tilespmem:s19+$0xCC0];
	v20 =	vmul.f32 v63, v3;
	[tilespmem:s19+$0x8D0] =	vst v16  }
0x89: {  	v23 =	vld [tilespmem:s19+$0xCD0];
	v22 =	vmul.f32 v13, v3;
	[tilespmem:s19+$0x8E0] =	vst v18  }
0x8a: {  	v25 =	vld [tilespmem:s19+$0xCE0];
	v24 =	vmul.f32 v15, v3;
	[tilespmem:s19+$0x8F0] =	vst v20  }
0x8b: {  	v27 =	vld [tilespmem:s19+$0xCF0];
	v26 =	vmul.f32 v17, v3;
	[tilespmem:s19+$0xC80] =	vst v22  }
0x8c: {  	v29 =	vld [tilespmem:s19+$0x1080];
	v28 =	vmul.f32 v19, v3;
	[tilespmem:s19+$0xC90] =	vst v24  }
0x8d: {  	v31 =	vld [tilespmem:s19+$0x1090];
	[tilespmem:s19+$0xCA0] =	vst v26;
	v30 =	vmul.f32 v21, v3  }
0x8e: {  	v33 =	vld [tilespmem:s19+$0x10A0];
	[tilespmem:s19+$0xCB0] =	vst v28;
	v32 =	vmul.f32 v23, v3  }
0x8f: {  	v35 =	vld [tilespmem:s19+$0x10B0];
	v34 =	vmul.f32 v25, v3;
	[tilespmem:s19+$0xCC0] =	vst v30  }
0x90: {  	v37 =	vld [tilespmem:s19+$0x10C0];
	v36 =	vmul.f32 v27, v3;
	[tilespmem:s19+$0xCD0] =	vst v32  }
0x91: {  	v39 =	vld [tilespmem:s19+$0x10D0];
	v38 =	vmul.f32 v29, v3;
	[tilespmem:s19+$0xCE0] =	vst v34  }
0x92: {  	v41 =	vld [tilespmem:s19+$0x10E0];
	[tilespmem:s19+$0xCF0] =	vst v36;
	v40 =	vmul.f32 v31, v3  }
0x93: {  	v43 =	vld [tilespmem:s19+$0x10F0];
	[tilespmem:s19+$0x1080] =	vst v38;
	v42 =	vmul.f32 v33, v3  }
0x94: {  	v45 =	vld [tilespmem:s19+$0x1480];
	v44 =	vmul.f32 v35, v3;
	[tilespmem:s19+$0x1090] =	vst v40  }
0x95: {  	v47 =	vld [tilespmem:s19+$0x1490];
	v46 =	vmul.f32 v37, v3;
	[tilespmem:s19+$0x10A0] =	vst v42  }
0x96: {  	v49 =	vld [tilespmem:s19+$0x14A0];
	v48 =	vmul.f32 v39, v3;
	[tilespmem:s19+$0x10B0] =	vst v44  }
0x97: {  	v51 =	vld [tilespmem:s19+$0x14B0];
	v50 =	vmul.f32 v41, v3;
	[tilespmem:s19+$0x10C0] =	vst v46  }
0x98: {  	v53 =	vld [tilespmem:s19+$0x14C0];
	v52 =	vmul.f32 v43, v3;
	[tilespmem:s19+$0x10D0] =	vst v48  }
0x99: {  	v55 =	vld [tilespmem:s19+$0x14D0];
	v54 =	vmul.f32 v45, v3;
	[tilespmem:s19+$0x10E0] =	vst v50  }
0x9a: {  	v57 =	vld [tilespmem:s19+$0x14E0];
	v56 =	vmul.f32 v47, v3;
	[tilespmem:s19+$0x10F0] =	vst v52  }
0x9b: {  	v59 =	vld [tilespmem:s19+$0x14F0];
	v58 =	vmul.f32 v49, v3;
	[tilespmem:s19+$0x1480] =	vst v54  }
0x9c: {  	v60 =	vmul.f32 v51, v3;
	[tilespmem:s19+$0x1490] =	vst v56  }
0x9d: {  	p0 =	sne.s32 s18, $0x3F;
	v61 =	vmul.f32 v53, v3;
	[tilespmem:s19+$0x14A0] =	vst v58  }
.Ltmp0:
0x9e: {  	v62 =	vmul.f32 v55, v3;
	[tilespmem:s19+$0x14B0] =	vst v60;
	(pc) =	sbr.rel @p0 .LBB2_2-.Ltmp0, $4  }
0x9f: {  	v63 =	vmul.f32 v57, v3;
	[tilespmem:s19+$0x14C0] =	vst v61  }
0xa0: {  	v3 =	vmul.f32 v59, v3;
	[tilespmem:s19+$0x14D0] =	vst v62  }
0xa1: {  	[tilespmem:s19+$0x14E0] =	vst v63  }
0xa2: {  	s17 =	sadd.s32 $0x80, s17;
	s16 =	sadd.s32 $0x80, s16;
	s18 =	sadd.s32 $0x1, s18;
	[tilespmem:s19+$0x14F0] =	vst v3  }
0xa3: {  	s15 =	sadd.s32 $0x1, s15  }
0xa4: {  	p0 =	sne.s32 s15, s9  }
.Ltmp1:
0xa5: {  	_ = 	snop;
	(pc) =	sbr.rel @p0 .LBB2_1-.Ltmp1, $4  }
0xa6: {  	[hbm4b:s8+s2] =	stream.linear.scatter [tilespmem:s11], [sflag:$0x2], $0xC000, $0x38;
	[tilespmem:$0xE080] =	vst v63  }
0xa7: {  	_ =	swait.ge [sflag:s10], $0xC000  }
0xa8: {  	[sflag:s10] =	ssyncset.done $0x0  }
0xa9: {  	[sflag:s10] =	ssyncadd.s32 $0xFFFF4000  }
0xaa: {  	_ =	sfence.sel $0x180000  }
0xab: {  	[bflag:$0x0] =	sbarrier.arrive $0xFFFF  }
0xac: {  	_ =	strace $0x9000004A  }
0xad: {  	s0 =	stileid.u32;
	[bflag:$0x2] =	sbarrier.arrive $0xFFFF  }
0xae: {  	p0 =	sne.s32 s0, $0x0;
	s0 =	rddreg [dreg:$0x2]  }
0xaf: {  	s0 =	sadd.s32 @!p0 $0x100000, s0  }
0xb0: {  	[sflag:s0] =	ssyncadd.tile.s32 @!p0 $0x1;
	_ =	shalt  }
.Lfunc_end2:
_tile_overlayer_lowered:
.L_overlay_start_2:
0xb1: {  	(tag) =	ssettag $0x2  }
0xb2: {  	s0 =	rddreg [dreg:$0x0];
	s2 =	stileid.u32  }
0xb3: {  	s1 =	rddreg [dreg:$0x1];
	p0 =	sne.s32 s2, $0x0  }
0xb4: {  	s3 =	rddreg [dreg:$0x2];
	[bflag:$0x3] =	sbarrier.arrive $0xFFFF;
	s2 =	simm.s32 @!p0 $0x1C02  }
0xb5: {  	[timem:s3], [sflag:s2] =	dma.local @!p0 [hbm:s0], s1  }
0xb6: {  	s0 =	simm.s32 @!p0 $0x2  }
0xb7: {  	_ =	swait.ge @!p0 [sflag:s0], s1  }
0xb8: {  	s1 =	ssub.s32 @!p0 $0x0, s1;
	[sflag:s0] =	ssyncset.done @!p0 $0x0  }
0xb9: {  	[sflag:s0] =	ssyncadd.s32 @!p0 s1  }
0xba: {  	[bflag:$0x3] =	sbarrier.arrive $0xFFFF  }
0xbb: {  	_ =	shalt  }

</sc_bundles>
